<compile_context>
chip_gen: v7x
topology: tpu7x:2x2x1
jax: 0.10.2.dev20260603
libtpu: 0.0.44.dev20260713+nightly
codegen_flags: <defaults>
</compile_context>

<pallas_src>
import jax
import jax.numpy as jnp
from jax import lax
from jax.experimental import pallas as pl
from jax.experimental.pallas import tpu as pltpu
from jax.experimental.pallas import tpu_sc as plsc

_LANES = 16
_NUM_CORES = 2
_NUM_SUBCORES = 16
_NW = _NUM_CORES * _NUM_SUBCORES

_B, _R, _F = 4, 4096, 256
_OF = _F // 2
_ROWS = _B * _R
_ROWS_PER_W = _ROWS // _NW
_NCHUNK = 4
_CROWS = _ROWS_PER_W // _NCHUNK
_VPR = _OF // _LANES


def _sel_body(x_hbm, out_hbm, in_v0, in_v1, out_v0, out_v1, in_sem, out_sem):
    in_bufs = (in_v0, in_v1)
    out_bufs = (out_v0, out_v1)
    wid = lax.axis_index("s") * _NUM_CORES + lax.axis_index("c")
    b = wid // (_R // _ROWS_PER_W)
    r0 = (wid % (_R // _ROWS_PER_W)) * _ROWS_PER_W

    iota = lax.iota(jnp.int32, _LANES)
    cols = [iota * 2 + 32 * vj for vj in range(_VPR)]

    def start_in(t):
        return pltpu.async_copy(
            x_hbm.at[b, pl.ds(r0 + t * _CROWS, _CROWS), :],
            in_bufs[t % 2], in_sem)

    def start_out(t):
        return pltpu.async_copy(
            out_bufs[t % 2],
            out_hbm.at[b, pl.ds(r0 + t * _CROWS, _CROWS), :], out_sem)

    copies_in = [start_in(0)]
    copies_out = []
    for t in range(_NCHUNK):
        if t + 1 < _NCHUNK:
            copies_in.append(start_in(t + 1))
        copies_in[t].wait()
        if t >= 2:
            copies_out[t - 2].wait()
        src = in_bufs[t % 2]
        dst = out_bufs[t % 2]

        @plsc.parallel_loop(0, _CROWS, 1, unroll=4)
        def _gather_rows(dr):
            row = iota * 0 + dr
            for vj in range(_VPR):
                dst[dr, pl.ds(vj * _LANES, _LANES)] = (
                    plsc.load_gather(src, [row, cols[vj]]))
        copies_out.append(start_out(t))
    copies_out[-2].wait()
    copies_out[-1].wait()


_sel = pl.kernel(
    _sel_body,
    out_type=jax.ShapeDtypeStruct((_B, _R, _OF), jnp.float32),
    mesh=plsc.VectorSubcoreMesh(
        core_axis_name="c",
        subcore_axis_name="s",
        num_cores=_NUM_CORES,
        num_subcores=_NUM_SUBCORES,
    ),
    scratch_types=[
        pltpu.VMEM((_CROWS, _F), jnp.float32),
        pltpu.VMEM((_CROWS, _F), jnp.float32),
        pltpu.VMEM((_CROWS, _OF), jnp.float32),
        pltpu.VMEM((_CROWS, _OF), jnp.float32),
        pltpu.SemaphoreType.DMA,
        pltpu.SemaphoreType.DMA,
    ],
    compiler_params=pltpu.CompilerParams(
        needs_layout_passes=False,
        disable_bounds_checks=True,
        disable_semaphore_checks=True,
    ),
)


def kernel(firings):
    return _sel(firings)

# --- scband reference (transcript-rebuilt; emitter-appended) ---
"""Pipeline reference for scband-common-out-processing-31361851195485 (READ-ONLY COPY).

The authoritative reference and input builder live on the scoring server;
editing this copy changes nothing except your own understanding.
"""

import jax, jax.numpy as jnp
import numpy as np

# Static mask baked into the layer at construction time: alternating True/False, length 256.
_MASK = np.tile(np.array([True, False]), 128)
_SEL_IDX = jnp.asarray(np.nonzero(_MASK)[0], dtype=jnp.int32)  # 128 selected feature columns


def setup_inputs(seed: int = 0) -> dict:
    key = jax.random.key(seed)
    firings = jax.random.normal(key, (4, 4096, 256), dtype=jnp.float32)
    return {"firings": firings}


def reference(firings):
    # tf.boolean_mask(firings, mask, axis=2) with a static mask == gather of the
    # True-index columns along the last axis.
    selected_firings = jnp.take(firings, _SEL_IDX, axis=2)
    return selected_firings

if __name__ == "__main__":
    import jax
    _d = setup_inputs()
    print(jax.jit(kernel)(*tuple(_d.values())))

</pallas_src>

<mosaic_0001>
#map = affine_map<(d0, d1) -> (0, 0, 0)>
module attributes {stable_mosaic.version = 14 : i64} {
  func.func @_sel_body(%arg0: i32, %arg1: i32, %arg2: memref<4x4096x256xf32, #tpu.memory_space<hbm>>, %arg3: memref<4x4096x128xf32, #tpu.memory_space<hbm>>, %arg4: memref<128x256xf32, #tpu.memory_space<vmem>>, %arg5: memref<128x256xf32, #tpu.memory_space<vmem>>, %arg6: memref<128x128xf32, #tpu.memory_space<vmem>>, %arg7: memref<128x128xf32, #tpu.memory_space<vmem>>, %arg8: memref<!tpu.dma_semaphore, #tpu.memory_space<semaphore_mem>>, %arg9: memref<!tpu.dma_semaphore, #tpu.memory_space<semaphore_mem>>) attributes {dimension_semantics = [#tpu.dimension_semantics<core_parallel>, #tpu.dimension_semantics<subcore_parallel>], iteration_bounds = array<i64: 2, 16>, scalar_prefetch = 0 : i64, scratch_operands = 6 : i64, tpu.core_type = #tpu.core_type<sc_vector_subcore>, window_params = [{transform_indices = #map}, {transform_indices = #map}]} {
    %mul3A = arith.constant 2 : i32
    %mul3A_0 = arith.muli %arg1, %mul3A : i32
    %add3A = arith.addi %mul3A_0, %arg0 : i32
    %jit3A = arith.constant 8 : i32
    %div3A = arith.divsi %add3A, %jit3A : i32
    %sign3A = arith.constant 0 : i32
    %sign3A_1 = arith.cmpi sgt, %add3A, %sign3A : i32
    %sign3A_2 = arith.extui %sign3A_1 : i1 to i32
    %sign3A_3 = arith.constant 0 : i32
    %sign3A_4 = arith.cmpi slt, %add3A, %sign3A_3 : i32
    %sign3A_5 = arith.extui %sign3A_4 : i1 to i32
    %sign3A_6 = arith.subi %sign3A_2, %sign3A_5 : i32
    %sign3A_7 = arith.constant 0 : i32
    %sign3A_8 = arith.cmpi sgt, %jit3A, %sign3A_7 : i32
    %sign3A_9 = arith.extui %sign3A_8 : i1 to i32
    %sign3A_10 = arith.constant 0 : i32
    %sign3A_11 = arith.cmpi slt, %jit3A, %sign3A_10 : i32
    %sign3A_12 = arith.extui %sign3A_11 : i1 to i32
    %sign3A_13 = arith.subi %sign3A_9, %sign3A_12 : i32
    %ne3A = arith.cmpi ne, %sign3A_6, %sign3A_13 : i32
    %rem3A = arith.remsi %add3A, %jit3A : i32
    %ne3A_14 = arith.constant 0 : i32
    %ne3A_15 = arith.cmpi ne, %rem3A, %ne3A_14 : i32
    %and3A = arith.andi %ne3A, %ne3A_15 : i1
    %sub3A = arith.constant 1 : i32
    %sub3A_16 = arith.subi %div3A, %sub3A : i32
    %select_n3A = arith.select %and3A, %sub3A_16, %div3A : i32
    %jit3A_17 = arith.constant 8 : i32
    %eq3A = arith.constant 0 : i32
    %eq3A_18 = arith.cmpi eq, %jit3A_17, %eq3A : i32
    %jit3A_19 = arith.constant 1 : i32
    %select_n3A_20 = arith.select %eq3A_18, %jit3A_19, %jit3A_17 : i32
    %rem3A_21 = arith.remsi %add3A, %select_n3A_20 : i32
    %ne3A_22 = arith.constant 0 : i32
    %ne3A_23 = arith.cmpi ne, %rem3A_21, %ne3A_22 : i32
    %lt3A = arith.constant 0 : i32
    %lt3A_24 = arith.cmpi slt, %rem3A_21, %lt3A : i32
    %lt3A_25 = arith.constant 0 : i32
    %lt3A_26 = arith.cmpi slt, %select_n3A_20, %lt3A_25 : i32
    %ne3A_27 = arith.xori %lt3A_24, %lt3A_26 : i1
    %and3A_28 = arith.andi %ne3A_27, %ne3A_23 : i1
    %add3A_29 = arith.addi %rem3A_21, %select_n3A_20 : i32
    %select_n3A_30 = arith.select %and3A_28, %add3A_29, %rem3A_21 : i32
    %mul3A_31 = arith.constant 512 : i32
    %mul3A_32 = arith.muli %select_n3A_30, %mul3A_31 : i32
    %iota3A = tpu.iota {dimensions = array<i32: 0>} : vector<16xi32>
    %mul3A_33 = arith.constant 2 : i32
    %mul3A_34 = vector.broadcast %mul3A_33 : i32 to vector<16xi32>
    %mul3A_35 = arith.muli %iota3A, %mul3A_34 : vector<16xi32>
    %add3A_36 = arith.constant 0 : i32
    %add3A_37 = vector.broadcast %add3A_36 : i32 to vector<16xi32>
    %add3A_38 = arith.addi %mul3A_35, %add3A_37 : vector<16xi32>
    %mul3A_39 = arith.constant 2 : i32
    %mul3A_40 = vector.broadcast %mul3A_39 : i32 to vector<16xi32>
    %mul3A_41 = arith.muli %iota3A, %mul3A_40 : vector<16xi32>
    %add3A_42 = arith.constant 32 : i32
    %add3A_43 = vector.broadcast %add3A_42 : i32 to vector<16xi32>
    %add3A_44 = arith.addi %mul3A_41, %add3A_43 : vector<16xi32>
    %mul3A_45 = arith.constant 2 : i32
    %mul3A_46 = vector.broadcast %mul3A_45 : i32 to vector<16xi32>
    %mul3A_47 = arith.muli %iota3A, %mul3A_46 : vector<16xi32>
    %add3A_48 = arith.constant 64 : i32
    %add3A_49 = vector.broadcast %add3A_48 : i32 to vector<16xi32>
    %add3A_50 = arith.addi %mul3A_47, %add3A_49 : vector<16xi32>
    %mul3A_51 = arith.constant 2 : i32
    %mul3A_52 = vector.broadcast %mul3A_51 : i32 to vector<16xi32>
    %mul3A_53 = arith.muli %iota3A, %mul3A_52 : vector<16xi32>
    %add3A_54 = arith.constant 96 : i32
    %add3A_55 = vector.broadcast %add3A_54 : i32 to vector<16xi32>
    %add3A_56 = arith.addi %mul3A_53, %add3A_55 : vector<16xi32>
    %mul3A_57 = arith.constant 2 : i32
    %mul3A_58 = vector.broadcast %mul3A_57 : i32 to vector<16xi32>
    %mul3A_59 = arith.muli %iota3A, %mul3A_58 : vector<16xi32>
    %add3A_60 = arith.constant 128 : i32
    %add3A_61 = vector.broadcast %add3A_60 : i32 to vector<16xi32>
    %add3A_62 = arith.addi %mul3A_59, %add3A_61 : vector<16xi32>
    %mul3A_63 = arith.constant 2 : i32
    %mul3A_64 = vector.broadcast %mul3A_63 : i32 to vector<16xi32>
    %mul3A_65 = arith.muli %iota3A, %mul3A_64 : vector<16xi32>
    %add3A_66 = arith.constant 160 : i32
    %add3A_67 = vector.broadcast %add3A_66 : i32 to vector<16xi32>
    %add3A_68 = arith.addi %mul3A_65, %add3A_67 : vector<16xi32>
    %mul3A_69 = arith.constant 2 : i32
    %mul3A_70 = vector.broadcast %mul3A_69 : i32 to vector<16xi32>
    %mul3A_71 = arith.muli %iota3A, %mul3A_70 : vector<16xi32>
    %add3A_72 = arith.constant 192 : i32
    %add3A_73 = vector.broadcast %add3A_72 : i32 to vector<16xi32>
    %add3A_74 = arith.addi %mul3A_71, %add3A_73 : vector<16xi32>
    %mul3A_75 = arith.constant 2 : i32
    %mul3A_76 = vector.broadcast %mul3A_75 : i32 to vector<16xi32>
    %mul3A_77 = arith.muli %iota3A, %mul3A_76 : vector<16xi32>
    %add3A_78 = arith.constant 224 : i32
    %add3A_79 = vector.broadcast %add3A_78 : i32 to vector<16xi32>
    %add3A_80 = arith.addi %mul3A_77, %add3A_79 : vector<16xi32>
    %add3A_81 = arith.constant 0 : i32
    %add3A_82 = arith.addi %mul3A_32, %add3A_81 : i32
    %dma_start3A = arith.constant 0 : i32
    %dma_start3A_83 = tpu.memref_slice %arg2[%select_n3A, %add3A_82, %dma_start3A] : memref<4x4096x256xf32, #tpu.memory_space<hbm>> -> memref<1x128x256xf32, #tpu.memory_space<hbm>>
    %dma_start3A_84 = tpu.memref_squeeze %dma_start3A_83 : memref<1x128x256xf32, #tpu.memory_space<hbm>> -> memref<128x256xf32, #tpu.memory_space<hbm>>
    %dma_start3A_85 = arith.constant 0 : i32
    %dma_start3A_86 = tpu.memref_slice %arg2[%select_n3A, %add3A_82, %dma_start3A_85] : memref<4x4096x256xf32, #tpu.memory_space<hbm>> -> memref<1x128x256xf32, #tpu.memory_space<hbm>>
    %dma_start3A_87 = tpu.memref_squeeze %dma_start3A_86 : memref<1x128x256xf32, #tpu.memory_space<hbm>> -> memref<128x256xf32, #tpu.memory_space<hbm>>
    tpu.enqueue_dma source(%dma_start3A_87 : memref<128x256xf32, #tpu.memory_space<hbm>>) target(%arg4 : memref<128x256xf32, #tpu.memory_space<vmem>>) target_semaphore(%arg8 : memref<!tpu.dma_semaphore, #tpu.memory_space<semaphore_mem>>)
    %add3A_88 = arith.constant 128 : i32
    %add3A_89 = arith.addi %mul3A_32, %add3A_88 : i32
    %dma_start3A_90 = arith.constant 0 : i32
    %dma_start3A_91 = tpu.memref_slice %arg2[%select_n3A, %add3A_89, %dma_start3A_90] : memref<4x4096x256xf32, #tpu.memory_space<hbm>> -> memref<1x128x256xf32, #tpu.memory_space<hbm>>
    %dma_start3A_92 = tpu.memref_squeeze %dma_start3A_91 : memref<1x128x256xf32, #tpu.memory_space<hbm>> -> memref<128x256xf32, #tpu.memory_space<hbm>>
    %dma_start3A_93 = arith.constant 0 : i32
    %dma_start3A_94 = tpu.memref_slice %arg2[%select_n3A, %add3A_89, %dma_start3A_93] : memref<4x4096x256xf32, #tpu.memory_space<hbm>> -> memref<1x128x256xf32, #tpu.memory_space<hbm>>
    %dma_start3A_95 = tpu.memref_squeeze %dma_start3A_94 : memref<1x128x256xf32, #tpu.memory_space<hbm>> -> memref<128x256xf32, #tpu.memory_space<hbm>>
    tpu.enqueue_dma source(%dma_start3A_95 : memref<128x256xf32, #tpu.memory_space<hbm>>) target(%arg5 : memref<128x256xf32, #tpu.memory_space<vmem>>) target_semaphore(%arg8 : memref<!tpu.dma_semaphore, #tpu.memory_space<semaphore_mem>>)
    %dma_wait3A = arith.constant 0 : i32
    %dma_wait3A_96 = tpu.memref_slice %arg2[%select_n3A, %add3A_82, %dma_wait3A] : memref<4x4096x256xf32, #tpu.memory_space<hbm>> -> memref<1x128x256xf32, #tpu.memory_space<hbm>>
    %dma_wait3A_97 = tpu.memref_squeeze %dma_wait3A_96 : memref<1x128x256xf32, #tpu.memory_space<hbm>> -> memref<128x256xf32, #tpu.memory_space<hbm>>
    %dma_wait3A_98 = arith.constant 0 : i32
    %dma_wait3A_99 = tpu.memref_slice %arg2[%select_n3A, %add3A_82, %dma_wait3A_98] : memref<4x4096x256xf32, #tpu.memory_space<hbm>> -> memref<1x128x256xf32, #tpu.memory_space<hbm>>
    %dma_wait3A_100 = tpu.memref_squeeze %dma_wait3A_99 : memref<1x128x256xf32, #tpu.memory_space<hbm>> -> memref<128x256xf32, #tpu.memory_space<hbm>>
    tpu.wait_dma2 semaphore(%arg8 : memref<!tpu.dma_semaphore, #tpu.memory_space<semaphore_mem>>) src(%dma_wait3A_100 : memref<128x256xf32, #tpu.memory_space<hbm>>) dst(%arg4 : memref<128x256xf32, #tpu.memory_space<vmem>>)
    %parallel_loop3A = arith.constant 0 : i32
    %parallel_loop3A_101 = arith.constant 128 : i32
    %parallel_loop3A_102 = arith.constant 1 : i32
    scf.for %parallel_loop3A_202 = %parallel_loop3A to %parallel_loop3A_101 step %parallel_loop3A_102  : i32 {
      %parallel_loop3A_203 = arith.constant 0 : i32
      %parallel_loop3A_204 = vector.broadcast %parallel_loop3A_203 : i32 to vector<16xi32>
      %parallel_loop3A_205 = arith.muli %iota3A, %parallel_loop3A_204 : vector<16xi32>
      %parallel_loop3A_206 = vector.broadcast %parallel_loop3A_202 : i32 to vector<16xi32>
      %parallel_loop3A_207 = arith.addi %parallel_loop3A_205, %parallel_loop3A_206 : vector<16xi32>
      %parallel_loop3A_208 = tpu.vector_load_idx %arg4[%parallel_loop3A_207, %add3A_38] : memref<128x256xf32, #tpu.memory_space<vmem>>[vector<16xi32>, vector<16xi32>], vector<16xf32>,
      %parallel_loop3A_209 = arith.index_cast %parallel_loop3A_202 : i32 to index
      %parallel_loop3A_210 = arith.constant 0 : index
      %parallel_loop3A_211 = tpu.vector_load %arg6[%parallel_loop3A_209, %parallel_loop3A_210] {strides = array<i32>} : memref<128x128xf32, #tpu.memory_space<vmem>>, vector<16xf32>,
      tpu.vector_store %arg6[%parallel_loop3A_209, %parallel_loop3A_210], %parallel_loop3A_208 {strides = array<i32>} : memref<128x128xf32, #tpu.memory_space<vmem>>, vector<16xf32>,
      %parallel_loop3A_212 = tpu.vector_load_idx %arg4[%parallel_loop3A_207, %add3A_44] : memref<128x256xf32, #tpu.memory_space<vmem>>[vector<16xi32>, vector<16xi32>], vector<16xf32>,
      %parallel_loop3A_213 = arith.index_cast %parallel_loop3A_202 : i32 to index
      %parallel_loop3A_214 = arith.constant 16 : index
      %parallel_loop3A_215 = tpu.vector_load %arg6[%parallel_loop3A_213, %parallel_loop3A_214] {strides = array<i32>} : memref<128x128xf32, #tpu.memory_space<vmem>>, vector<16xf32>,
      tpu.vector_store %arg6[%parallel_loop3A_213, %parallel_loop3A_214], %parallel_loop3A_212 {strides = array<i32>} : memref<128x128xf32, #tpu.memory_space<vmem>>, vector<16xf32>,
      %parallel_loop3A_216 = tpu.vector_load_idx %arg4[%parallel_loop3A_207, %add3A_50] : memref<128x256xf32, #tpu.memory_space<vmem>>[vector<16xi32>, vector<16xi32>], vector<16xf32>,
      %parallel_loop3A_217 = arith.index_cast %parallel_loop3A_202 : i32 to index
      %parallel_loop3A_218 = arith.constant 32 : index
      %parallel_loop3A_219 = tpu.vector_load %arg6[%parallel_loop3A_217, %parallel_loop3A_218] {strides = array<i32>} : memref<128x128xf32, #tpu.memory_space<vmem>>, vector<16xf32>,
      tpu.vector_store %arg6[%parallel_loop3A_217, %parallel_loop3A_218], %parallel_loop3A_216 {strides = array<i32>} : memref<128x128xf32, #tpu.memory_space<vmem>>, vector<16xf32>,
      %parallel_loop3A_220 = tpu.vector_load_idx %arg4[%parallel_loop3A_207, %add3A_56] : memref<128x256xf32, #tpu.memory_space<vmem>>[vector<16xi32>, vector<16xi32>], vector<16xf32>,
      %parallel_loop3A_221 = arith.index_cast %parallel_loop3A_202 : i32 to index
      %parallel_loop3A_222 = arith.constant 48 : index
      %parallel_loop3A_223 = tpu.vector_load %arg6[%parallel_loop3A_221, %parallel_loop3A_222] {strides = array<i32>} : memref<128x128xf32, #tpu.memory_space<vmem>>, vector<16xf32>,
      tpu.vector_store %arg6[%parallel_loop3A_221, %parallel_loop3A_222], %parallel_loop3A_220 {strides = array<i32>} : memref<128x128xf32, #tpu.memory_space<vmem>>, vector<16xf32>,
      %parallel_loop3A_224 = tpu.vector_load_idx %arg4[%parallel_loop3A_207, %add3A_62] : memref<128x256xf32, #tpu.memory_space<vmem>>[vector<16xi32>, vector<16xi32>], vector<16xf32>,
      %parallel_loop3A_225 = arith.index_cast %parallel_loop3A_202 : i32 to index
      %parallel_loop3A_226 = arith.constant 64 : index
      %parallel_loop3A_227 = tpu.vector_load %arg6[%parallel_loop3A_225, %parallel_loop3A_226] {strides = array<i32>} : memref<128x128xf32, #tpu.memory_space<vmem>>, vector<16xf32>,
      tpu.vector_store %arg6[%parallel_loop3A_225, %parallel_loop3A_226], %parallel_loop3A_224 {strides = array<i32>} : memref<128x128xf32, #tpu.memory_space<vmem>>, vector<16xf32>,
      %parallel_loop3A_228 = tpu.vector_load_idx %arg4[%parallel_loop3A_207, %add3A_68] : memref<128x256xf32, #tpu.memory_space<vmem>>[vector<16xi32>, vector<16xi32>], vector<16xf32>,
      %parallel_loop3A_229 = arith.index_cast %parallel_loop3A_202 : i32 to index
      %parallel_loop3A_230 = arith.constant 80 : index
      %parallel_loop3A_231 = tpu.vector_load %arg6[%parallel_loop3A_229, %parallel_loop3A_230] {strides = array<i32>} : memref<128x128xf32, #tpu.memory_space<vmem>>, vector<16xf32>,
      tpu.vector_store %arg6[%parallel_loop3A_229, %parallel_loop3A_230], %parallel_loop3A_228 {strides = array<i32>} : memref<128x128xf32, #tpu.memory_space<vmem>>, vector<16xf32>,
      %parallel_loop3A_232 = tpu.vector_load_idx %arg4[%parallel_loop3A_207, %add3A_74] : memref<128x256xf32, #tpu.memory_space<vmem>>[vector<16xi32>, vector<16xi32>], vector<16xf32>,
      %parallel_loop3A_233 = arith.index_cast %parallel_loop3A_202 : i32 to index
      %parallel_loop3A_234 = arith.constant 96 : index
      %parallel_loop3A_235 = tpu.vector_load %arg6[%parallel_loop3A_233, %parallel_loop3A_234] {strides = array<i32>} : memref<128x128xf32, #tpu.memory_space<vmem>>, vector<16xf32>,
      tpu.vector_store %arg6[%parallel_loop3A_233, %parallel_loop3A_234], %parallel_loop3A_232 {strides = array<i32>} : memref<128x128xf32, #tpu.memory_space<vmem>>, vector<16xf32>,
      %parallel_loop3A_236 = tpu.vector_load_idx %arg4[%parallel_loop3A_207, %add3A_80] : memref<128x256xf32, #tpu.memory_space<vmem>>[vector<16xi32>, vector<16xi32>], vector<16xf32>,
      %parallel_loop3A_237 = arith.index_cast %parallel_loop3A_202 : i32 to index
      %parallel_loop3A_238 = arith.constant 112 : index
      %parallel_loop3A_239 = tpu.vector_load %arg6[%parallel_loop3A_237, %parallel_loop3A_238] {strides = array<i32>} : memref<128x128xf32, #tpu.memory_space<vmem>>, vector<16xf32>,
      tpu.vector_store %arg6[%parallel_loop3A_237, %parallel_loop3A_238], %parallel_loop3A_236 {strides = array<i32>} : memref<128x128xf32, #tpu.memory_space<vmem>>, vector<16xf32>,
    } {sc.loop_unroll_factor = 4 : i64, sc.parallel_access}
    %add3A_103 = arith.constant 0 : i32
    %add3A_104 = arith.addi %mul3A_32, %add3A_103 : i32
    %dma_start3A_105 = arith.constant 0 : i32
    %dma_start3A_106 = tpu.memref_slice %arg3[%select_n3A, %add3A_104, %dma_start3A_105] : memref<4x4096x128xf32, #tpu.memory_space<hbm>> -> memref<1x128x128xf32, #tpu.memory_space<hbm>>
    %dma_start3A_107 = tpu.memref_squeeze %dma_start3A_106 : memref<1x128x128xf32, #tpu.memory_space<hbm>> -> memref<128x128xf32, #tpu.memory_space<hbm>>
    %dma_start3A_108 = arith.constant 0 : i32
    %dma_start3A_109 = tpu.memref_slice %arg3[%select_n3A, %add3A_104, %dma_start3A_108] : memref<4x4096x128xf32, #tpu.memory_space<hbm>> -> memref<1x128x128xf32, #tpu.memory_space<hbm>>
    %dma_start3A_110 = tpu.memref_squeeze %dma_start3A_109 : memref<1x128x128xf32, #tpu.memory_space<hbm>> -> memref<128x128xf32, #tpu.memory_space<hbm>>
    tpu.enqueue_dma source(%arg6 : memref<128x128xf32, #tpu.memory_space<vmem>>) target(%dma_start3A_110 : memref<128x128xf32, #tpu.memory_space<hbm>>) target_semaphore(%arg9 : memref<!tpu.dma_semaphore, #tpu.memory_space<semaphore_mem>>)
    %add3A_111 = arith.constant 256 : i32
    %add3A_112 = arith.addi %mul3A_32, %add3A_111 : i32
    %dma_start3A_113 = arith.constant 0 : i32
    %dma_start3A_114 = tpu.memref_slice %arg2[%select_n3A, %add3A_112, %dma_start3A_113] : memref<4x4096x256xf32, #tpu.memory_space<hbm>> -> memref<1x128x256xf32, #tpu.memory_space<hbm>>
    %dma_start3A_115 = tpu.memref_squeeze %dma_start3A_114 : memref<1x128x256xf32, #tpu.memory_space<hbm>> -> memref<128x256xf32, #tpu.memory_space<hbm>>
    %dma_start3A_116 = arith.constant 0 : i32
    %dma_start3A_117 = tpu.memref_slice %arg2[%select_n3A, %add3A_112, %dma_start3A_116] : memref<4x4096x256xf32, #tpu.memory_space<hbm>> -> memref<1x128x256xf32, #tpu.memory_space<hbm>>
    %dma_start3A_118 = tpu.memref_squeeze %dma_start3A_117 : memref<1x128x256xf32, #tpu.memory_space<hbm>> -> memref<128x256xf32, #tpu.memory_space<hbm>>
    tpu.enqueue_dma source(%dma_start3A_118 : memref<128x256xf32, #tpu.memory_space<hbm>>) target(%arg4 : memref<128x256xf32, #tpu.memory_space<vmem>>) target_semaphore(%arg8 : memref<!tpu.dma_semaphore, #tpu.memory_space<semaphore_mem>>)
    %dma_wait3A_119 = arith.constant 0 : i32
    %dma_wait3A_120 = tpu.memref_slice %arg2[%select_n3A, %add3A_89, %dma_wait3A_119] : memref<4x4096x256xf32, #tpu.memory_space<hbm>> -> memref<1x128x256xf32, #tpu.memory_space<hbm>>
    %dma_wait3A_121 = tpu.memref_squeeze %dma_wait3A_120 : memref<1x128x256xf32, #tpu.memory_space<hbm>> -> memref<128x256xf32, #tpu.memory_space<hbm>>
    %dma_wait3A_122 = arith.constant 0 : i32
    %dma_wait3A_123 = tpu.memref_slice %arg2[%select_n3A, %add3A_89, %dma_wait3A_122] : memref<4x4096x256xf32, #tpu.memory_space<hbm>> -> memref<1x128x256xf32, #tpu.memory_space<hbm>>
    %dma_wait3A_124 = tpu.memref_squeeze %dma_wait3A_123 : memref<1x128x256xf32, #tpu.memory_space<hbm>> -> memref<128x256xf32, #tpu.memory_space<hbm>>
    tpu.wait_dma2 semaphore(%arg8 : memref<!tpu.dma_semaphore, #tpu.memory_space<semaphore_mem>>) src(%dma_wait3A_124 : memref<128x256xf32, #tpu.memory_space<hbm>>) dst(%arg5 : memref<128x256xf32, #tpu.memory_space<vmem>>)
    %parallel_loop3A_125 = arith.constant 0 : i32
    %parallel_loop3A_126 = arith.constant 128 : i32
    %parallel_loop3A_127 = arith.constant 1 : i32
    scf.for %parallel_loop3A_202 = %parallel_loop3A_125 to %parallel_loop3A_126 step %parallel_loop3A_127  : i32 {
      %parallel_loop3A_203 = arith.constant 0 : i32
      %parallel_loop3A_204 = vector.broadcast %parallel_loop3A_203 : i32 to vector<16xi32>
      %parallel_loop3A_205 = arith.muli %iota3A, %parallel_loop3A_204 : vector<16xi32>
      %parallel_loop3A_206 = vector.broadcast %parallel_loop3A_202 : i32 to vector<16xi32>
      %parallel_loop3A_207 = arith.addi %parallel_loop3A_205, %parallel_loop3A_206 : vector<16xi32>
      %parallel_loop3A_208 = tpu.vector_load_idx %arg5[%parallel_loop3A_207, %add3A_38] : memref<128x256xf32, #tpu.memory_space<vmem>>[vector<16xi32>, vector<16xi32>], vector<16xf32>,
      %parallel_loop3A_209 = arith.index_cast %parallel_loop3A_202 : i32 to index
      %parallel_loop3A_210 = arith.constant 0 : index
      %parallel_loop3A_211 = tpu.vector_load %arg7[%parallel_loop3A_209, %parallel_loop3A_210] {strides = array<i32>} : memref<128x128xf32, #tpu.memory_space<vmem>>, vector<16xf32>,
      tpu.vector_store %arg7[%parallel_loop3A_209, %parallel_loop3A_210], %parallel_loop3A_208 {strides = array<i32>} : memref<128x128xf32, #tpu.memory_space<vmem>>, vector<16xf32>,
      %parallel_loop3A_212 = tpu.vector_load_idx %arg5[%parallel_loop3A_207, %add3A_44] : memref<128x256xf32, #tpu.memory_space<vmem>>[vector<16xi32>, vector<16xi32>], vector<16xf32>,
      %parallel_loop3A_213 = arith.index_cast %parallel_loop3A_202 : i32 to index
      %parallel_loop3A_214 = arith.constant 16 : index
      %parallel_loop3A_215 = tpu.vector_load %arg7[%parallel_loop3A_213, %parallel_loop3A_214] {strides = array<i32>} : memref<128x128xf32, #tpu.memory_space<vmem>>, vector<16xf32>,
      tpu.vector_store %arg7[%parallel_loop3A_213, %parallel_loop3A_214], %parallel_loop3A_212 {strides = array<i32>} : memref<128x128xf32, #tpu.memory_space<vmem>>, vector<16xf32>,
      %parallel_loop3A_216 = tpu.vector_load_idx %arg5[%parallel_loop3A_207, %add3A_50] : memref<128x256xf32, #tpu.memory_space<vmem>>[vector<16xi32>, vector<16xi32>], vector<16xf32>,
      %parallel_loop3A_217 = arith.index_cast %parallel_loop3A_202 : i32 to index
      %parallel_loop3A_218 = arith.constant 32 : index
      %parallel_loop3A_219 = tpu.vector_load %arg7[%parallel_loop3A_217, %parallel_loop3A_218] {strides = array<i32>} : memref<128x128xf32, #tpu.memory_space<vmem>>, vector<16xf32>,
      tpu.vector_store %arg7[%parallel_loop3A_217, %parallel_loop3A_218], %parallel_loop3A_216 {strides = array<i32>} : memref<128x128xf32, #tpu.memory_space<vmem>>, vector<16xf32>,
      %parallel_loop3A_220 = tpu.vector_load_idx %arg5[%parallel_loop3A_207, %add3A_56] : memref<128x256xf32, #tpu.memory_space<vmem>>[vector<16xi32>, vector<16xi32>], vector<16xf32>,
      %parallel_loop3A_221 = arith.index_cast %parallel_loop3A_202 : i32 to index
      %parallel_loop3A_222 = arith.constant 48 : index
      %parallel_loop3A_223 = tpu.vector_load %arg7[%parallel_loop3A_221, %parallel_loop3A_222] {strides = array<i32>} : memref<128x128xf32, #tpu.memory_space<vmem>>, vector<16xf32>,
      tpu.vector_store %arg7[%parallel_loop3A_221, %parallel_loop3A_222], %parallel_loop3A_220 {strides = array<i32>} : memref<128x128xf32, #tpu.memory_space<vmem>>, vector<16xf32>,
      %parallel_loop3A_224 = tpu.vector_load_idx %arg5[%parallel_loop3A_207, %add3A_62] : memref<128x256xf32, #tpu.memory_space<vmem>>[vector<16xi32>, vector<16xi32>], vector<16xf32>,
      %parallel_loop3A_225 = arith.index_cast %parallel_loop3A_202 : i32 to index
      %parallel_loop3A_226 = arith.constant 64 : index
      %parallel_loop3A_227 = tpu.vector_load %arg7[%parallel_loop3A_225, %parallel_loop3A_226] {strides = array<i32>} : memref<128x128xf32, #tpu.memory_space<vmem>>, vector<16xf32>,
      tpu.vector_store %arg7[%parallel_loop3A_225, %parallel_loop3A_226], %parallel_loop3A_224 {strides = array<i32>} : memref<128x128xf32, #tpu.memory_space<vmem>>, vector<16xf32>,
      %parallel_loop3A_228 = tpu.vector_load_idx %arg5[%parallel_loop3A_207, %add3A_68] : memref<128x256xf32, #tpu.memory_space<vmem>>[vector<16xi32>, vector<16xi32>], vector<16xf32>,
      %parallel_loop3A_229 = arith.index_cast %parallel_loop3A_202 : i32 to index
      %parallel_loop3A_230 = arith.constant 80 : index
      %parallel_loop3A_231 = tpu.vector_load %arg7[%parallel_loop3A_229, %parallel_loop3A_230] {strides = array<i32>} : memref<128x128xf32, #tpu.memory_space<vmem>>, vector<16xf32>,
      tpu.vector_store %arg7[%parallel_loop3A_229, %parallel_loop3A_230], %parallel_loop3A_228 {strides = array<i32>} : memref<128x128xf32, #tpu.memory_space<vmem>>, vector<16xf32>,
      %parallel_loop3A_232 = tpu.vector_load_idx %arg5[%parallel_loop3A_207, %add3A_74] : memref<128x256xf32, #tpu.memory_space<vmem>>[vector<16xi32>, vector<16xi32>], vector<16xf32>,
      %parallel_loop3A_233 = arith.index_cast %parallel_loop3A_202 : i32 to index
      %parallel_loop3A_234 = arith.constant 96 : index
      %parallel_loop3A_235 = tpu.vector_load %arg7[%parallel_loop3A_233, %parallel_loop3A_234] {strides = array<i32>} : memref<128x128xf32, #tpu.memory_space<vmem>>, vector<16xf32>,
      tpu.vector_store %arg7[%parallel_loop3A_233, %parallel_loop3A_234], %parallel_loop3A_232 {strides = array<i32>} : memref<128x128xf32, #tpu.memory_space<vmem>>, vector<16xf32>,
      %parallel_loop3A_236 = tpu.vector_load_idx %arg5[%parallel_loop3A_207, %add3A_80] : memref<128x256xf32, #tpu.memory_space<vmem>>[vector<16xi32>, vector<16xi32>], vector<16xf32>,
      %parallel_loop3A_237 = arith.index_cast %parallel_loop3A_202 : i32 to index
      %parallel_loop3A_238 = arith.constant 112 : index
      %parallel_loop3A_239 = tpu.vector_load %arg7[%parallel_loop3A_237, %parallel_loop3A_238] {strides = array<i32>} : memref<128x128xf32, #tpu.memory_space<vmem>>, vector<16xf32>,
      tpu.vector_store %arg7[%parallel_loop3A_237, %parallel_loop3A_238], %parallel_loop3A_236 {strides = array<i32>} : memref<128x128xf32, #tpu.memory_space<vmem>>, vector<16xf32>,
    } {sc.loop_unroll_factor = 4 : i64, sc.parallel_access}
    %add3A_128 = arith.constant 128 : i32
    %add3A_129 = arith.addi %mul3A_32, %add3A_128 : i32
    %dma_start3A_130 = arith.constant 0 : i32
    %dma_start3A_131 = tpu.memref_slice %arg3[%select_n3A, %add3A_129, %dma_start3A_130] : memref<4x4096x128xf32, #tpu.memory_space<hbm>> -> memref<1x128x128xf32, #tpu.memory_space<hbm>>
    %dma_start3A_132 = tpu.memref_squeeze %dma_start3A_131 : memref<1x128x128xf32, #tpu.memory_space<hbm>> -> memref<128x128xf32, #tpu.memory_space<hbm>>
    %dma_start3A_133 = arith.constant 0 : i32
    %dma_start3A_134 = tpu.memref_slice %arg3[%select_n3A, %add3A_129, %dma_start3A_133] : memref<4x4096x128xf32, #tpu.memory_space<hbm>> -> memref<1x128x128xf32, #tpu.memory_space<hbm>>
    %dma_start3A_135 = tpu.memref_squeeze %dma_start3A_134 : memref<1x128x128xf32, #tpu.memory_space<hbm>> -> memref<128x128xf32, #tpu.memory_space<hbm>>
    tpu.enqueue_dma source(%arg7 : memref<128x128xf32, #tpu.memory_space<vmem>>) target(%dma_start3A_135 : memref<128x128xf32, #tpu.memory_space<hbm>>) target_semaphore(%arg9 : memref<!tpu.dma_semaphore, #tpu.memory_space<semaphore_mem>>)
    %add3A_136 = arith.constant 384 : i32
    %add3A_137 = arith.addi %mul3A_32, %add3A_136 : i32
    %dma_start3A_138 = arith.constant 0 : i32
    %dma_start3A_139 = tpu.memref_slice %arg2[%select_n3A, %add3A_137, %dma_start3A_138] : memref<4x4096x256xf32, #tpu.memory_space<hbm>> -> memref<1x128x256xf32, #tpu.memory_space<hbm>>
    %dma_start3A_140 = tpu.memref_squeeze %dma_start3A_139 : memref<1x128x256xf32, #tpu.memory_space<hbm>> -> memref<128x256xf32, #tpu.memory_space<hbm>>
    %dma_start3A_141 = arith.constant 0 : i32
    %dma_start3A_142 = tpu.memref_slice %arg2[%select_n3A, %add3A_137, %dma_start3A_141] : memref<4x4096x256xf32, #tpu.memory_space<hbm>> -> memref<1x128x256xf32, #tpu.memory_space<hbm>>
    %dma_start3A_143 = tpu.memref_squeeze %dma_start3A_142 : memref<1x128x256xf32, #tpu.memory_space<hbm>> -> memref<128x256xf32, #tpu.memory_space<hbm>>
    tpu.enqueue_dma source(%dma_start3A_143 : memref<128x256xf32, #tpu.memory_space<hbm>>) target(%arg5 : memref<128x256xf32, #tpu.memory_space<vmem>>) target_semaphore(%arg8 : memref<!tpu.dma_semaphore, #tpu.memory_space<semaphore_mem>>)
    %dma_wait3A_144 = arith.constant 0 : i32
    %dma_wait3A_145 = tpu.memref_slice %arg2[%select_n3A, %add3A_112, %dma_wait3A_144] : memref<4x4096x256xf32, #tpu.memory_space<hbm>> -> memref<1x128x256xf32, #tpu.memory_space<hbm>>
    %dma_wait3A_146 = tpu.memref_squeeze %dma_wait3A_145 : memref<1x128x256xf32, #tpu.memory_space<hbm>> -> memref<128x256xf32, #tpu.memory_space<hbm>>
    %dma_wait3A_147 = arith.constant 0 : i32
    %dma_wait3A_148 = tpu.memref_slice %arg2[%select_n3A, %add3A_112, %dma_wait3A_147] : memref<4x4096x256xf32, #tpu.memory_space<hbm>> -> memref<1x128x256xf32, #tpu.memory_space<hbm>>
    %dma_wait3A_149 = tpu.memref_squeeze %dma_wait3A_148 : memref<1x128x256xf32, #tpu.memory_space<hbm>> -> memref<128x256xf32, #tpu.memory_space<hbm>>
    tpu.wait_dma2 semaphore(%arg8 : memref<!tpu.dma_semaphore, #tpu.memory_space<semaphore_mem>>) src(%dma_wait3A_149 : memref<128x256xf32, #tpu.memory_space<hbm>>) dst(%arg4 : memref<128x256xf32, #tpu.memory_space<vmem>>)
    %dma_wait3A_150 = arith.constant 0 : i32
    %dma_wait3A_151 = tpu.memref_slice %arg3[%select_n3A, %add3A_104, %dma_wait3A_150] : memref<4x4096x128xf32, #tpu.memory_space<hbm>> -> memref<1x128x128xf32, #tpu.memory_space<hbm>>
    %dma_wait3A_152 = tpu.memref_squeeze %dma_wait3A_151 : memref<1x128x128xf32, #tpu.memory_space<hbm>> -> memref<128x128xf32, #tpu.memory_space<hbm>>
    %dma_wait3A_153 = arith.constant 0 : i32
    %dma_wait3A_154 = tpu.memref_slice %arg3[%select_n3A, %add3A_104, %dma_wait3A_153] : memref<4x4096x128xf32, #tpu.memory_space<hbm>> -> memref<1x128x128xf32, #tpu.memory_space<hbm>>
    %dma_wait3A_155 = tpu.memref_squeeze %dma_wait3A_154 : memref<1x128x128xf32, #tpu.memory_space<hbm>> -> memref<128x128xf32, #tpu.memory_space<hbm>>
    tpu.wait_dma2 semaphore(%arg9 : memref<!tpu.dma_semaphore, #tpu.memory_space<semaphore_mem>>) src(%arg6 : memref<128x128xf32, #tpu.memory_space<vmem>>) dst(%dma_wait3A_155 : memref<128x128xf32, #tpu.memory_space<hbm>>)
    %parallel_loop3A_156 = arith.constant 0 : i32
    %parallel_loop3A_157 = arith.constant 128 : i32
    %parallel_loop3A_158 = arith.constant 1 : i32
    scf.for %parallel_loop3A_202 = %parallel_loop3A_156 to %parallel_loop3A_157 step %parallel_loop3A_158  : i32 {
      %parallel_loop3A_203 = arith.constant 0 : i32
      %parallel_loop3A_204 = vector.broadcast %parallel_loop3A_203 : i32 to vector<16xi32>
      %parallel_loop3A_205 = arith.muli %iota3A, %parallel_loop3A_204 : vector<16xi32>
      %parallel_loop3A_206 = vector.broadcast %parallel_loop3A_202 : i32 to vector<16xi32>
      %parallel_loop3A_207 = arith.addi %parallel_loop3A_205, %parallel_loop3A_206 : vector<16xi32>
      %parallel_loop3A_208 = tpu.vector_load_idx %arg4[%parallel_loop3A_207, %add3A_38] : memref<128x256xf32, #tpu.memory_space<vmem>>[vector<16xi32>, vector<16xi32>], vector<16xf32>,
      %parallel_loop3A_209 = arith.index_cast %parallel_loop3A_202 : i32 to index
      %parallel_loop3A_210 = arith.constant 0 : index
      %parallel_loop3A_211 = tpu.vector_load %arg6[%parallel_loop3A_209, %parallel_loop3A_210] {strides = array<i32>} : memref<128x128xf32, #tpu.memory_space<vmem>>, vector<16xf32>,
      tpu.vector_store %arg6[%parallel_loop3A_209, %parallel_loop3A_210], %parallel_loop3A_208 {strides = array<i32>} : memref<128x128xf32, #tpu.memory_space<vmem>>, vector<16xf32>,
      %parallel_loop3A_212 = tpu.vector_load_idx %arg4[%parallel_loop3A_207, %add3A_44] : memref<128x256xf32, #tpu.memory_space<vmem>>[vector<16xi32>, vector<16xi32>], vector<16xf32>,
      %parallel_loop3A_213 = arith.index_cast %parallel_loop3A_202 : i32 to index
      %parallel_loop3A_214 = arith.constant 16 : index
      %parallel_loop3A_215 = tpu.vector_load %arg6[%parallel_loop3A_213, %parallel_loop3A_214] {strides = array<i32>} : memref<128x128xf32, #tpu.memory_space<vmem>>, vector<16xf32>,
      tpu.vector_store %arg6[%parallel_loop3A_213, %parallel_loop3A_214], %parallel_loop3A_212 {strides = array<i32>} : memref<128x128xf32, #tpu.memory_space<vmem>>, vector<16xf32>,
      %parallel_loop3A_216 = tpu.vector_load_idx %arg4[%parallel_loop3A_207, %add3A_50] : memref<128x256xf32, #tpu.memory_space<vmem>>[vector<16xi32>, vector<16xi32>], vector<16xf32>,
      %parallel_loop3A_217 = arith.index_cast %parallel_loop3A_202 : i32 to index
      %parallel_loop3A_218 = arith.constant 32 : index
      %parallel_loop3A_219 = tpu.vector_load %arg6[%parallel_loop3A_217, %parallel_loop3A_218] {strides = array<i32>} : memref<128x128xf32, #tpu.memory_space<vmem>>, vector<16xf32>,
      tpu.vector_store %arg6[%parallel_loop3A_217, %parallel_loop3A_218], %parallel_loop3A_216 {strides = array<i32>} : memref<128x128xf32, #tpu.memory_space<vmem>>, vector<16xf32>,
      %parallel_loop3A_220 = tpu.vector_load_idx %arg4[%parallel_loop3A_207, %add3A_56] : memref<128x256xf32, #tpu.memory_space<vmem>>[vector<16xi32>, vector<16xi32>], vector<16xf32>,
      %parallel_loop3A_221 = arith.index_cast %parallel_loop3A_202 : i32 to index
      %parallel_loop3A_222 = arith.constant 48 : index
      %parallel_loop3A_223 = tpu.vector_load %arg6[%parallel_loop3A_221, %parallel_loop3A_222] {strides = array<i32>} : memref<128x128xf32, #tpu.memory_space<vmem>>, vector<16xf32>,
      tpu.vector_store %arg6[%parallel_loop3A_221, %parallel_loop3A_222], %parallel_loop3A_220 {strides = array<i32>} : memref<128x128xf32, #tpu.memory_space<vmem>>, vector<16xf32>,
      %parallel_loop3A_224 = tpu.vector_load_idx %arg4[%parallel_loop3A_207, %add3A_62] : memref<128x256xf32, #tpu.memory_space<vmem>>[vector<16xi32>, vector<16xi32>], vector<16xf32>,
      %parallel_loop3A_225 = arith.index_cast %parallel_loop3A_202 : i32 to index
      %parallel_loop3A_226 = arith.constant 64 : index
      %parallel_loop3A_227 = tpu.vector_load %arg6[%parallel_loop3A_225, %parallel_loop3A_226] {strides = array<i32>} : memref<128x128xf32, #tpu.memory_space<vmem>>, vector<16xf32>,
      tpu.vector_store %arg6[%parallel_loop3A_225, %parallel_loop3A_226], %parallel_loop3A_224 {strides = array<i32>} : memref<128x128xf32, #tpu.memory_space<vmem>>, vector<16xf32>,
      %parallel_loop3A_228 = tpu.vector_load_idx %arg4[%parallel_loop3A_207, %add3A_68] : memref<128x256xf32, #tpu.memory_space<vmem>>[vector<16xi32>, vector<16xi32>], vector<16xf32>,
      %parallel_loop3A_229 = arith.index_cast %parallel_loop3A_202 : i32 to index
      %parallel_loop3A_230 = arith.constant 80 : index
      %parallel_loop3A_231 = tpu.vector_load %arg6[%parallel_loop3A_229, %parallel_loop3A_230] {strides = array<i32>} : memref<128x128xf32, #tpu.memory_space<vmem>>, vector<16xf32>,
      tpu.vector_store %arg6[%parallel_loop3A_229, %parallel_loop3A_230], %parallel_loop3A_228 {strides = array<i32>} : memref<128x128xf32, #tpu.memory_space<vmem>>, vector<16xf32>,
      %parallel_loop3A_232 = tpu.vector_load_idx %arg4[%parallel_loop3A_207, %add3A_74] : memref<128x256xf32, #tpu.memory_space<vmem>>[vector<16xi32>, vector<16xi32>], vector<16xf32>,
      %parallel_loop3A_233 = arith.index_cast %parallel_loop3A_202 : i32 to index
      %parallel_loop3A_234 = arith.constant 96 : index
      %parallel_loop3A_235 = tpu.vector_load %arg6[%parallel_loop3A_233, %parallel_loop3A_234] {strides = array<i32>} : memref<128x128xf32, #tpu.memory_space<vmem>>, vector<16xf32>,
      tpu.vector_store %arg6[%parallel_loop3A_233, %parallel_loop3A_234], %parallel_loop3A_232 {strides = array<i32>} : memref<128x128xf32, #tpu.memory_space<vmem>>, vector<16xf32>,
      %parallel_loop3A_236 = tpu.vector_load_idx %arg4[%parallel_loop3A_207, %add3A_80] : memref<128x256xf32, #tpu.memory_space<vmem>>[vector<16xi32>, vector<16xi32>], vector<16xf32>,
      %parallel_loop3A_237 = arith.index_cast %parallel_loop3A_202 : i32 to index
      %parallel_loop3A_238 = arith.constant 112 : index
      %parallel_loop3A_239 = tpu.vector_load %arg6[%parallel_loop3A_237, %parallel_loop3A_238] {strides = array<i32>} : memref<128x128xf32, #tpu.memory_space<vmem>>, vector<16xf32>,
      tpu.vector_store %arg6[%parallel_loop3A_237, %parallel_loop3A_238], %parallel_loop3A_236 {strides = array<i32>} : memref<128x128xf32, #tpu.memory_space<vmem>>, vector<16xf32>,
    } {sc.loop_unroll_factor = 4 : i64, sc.parallel_access}
    %add3A_159 = arith.constant 256 : i32
    %add3A_160 = arith.addi %mul3A_32, %add3A_159 : i32
    %dma_start3A_161 = arith.constant 0 : i32
    %dma_start3A_162 = tpu.memref_slice %arg3[%select_n3A, %add3A_160, %dma_start3A_161] : memref<4x4096x128xf32, #tpu.memory_space<hbm>> -> memref<1x128x128xf32, #tpu.memory_space<hbm>>
    %dma_start3A_163 = tpu.memref_squeeze %dma_start3A_162 : memref<1x128x128xf32, #tpu.memory_space<hbm>> -> memref<128x128xf32, #tpu.memory_space<hbm>>
    %dma_start3A_164 = arith.constant 0 : i32
    %dma_start3A_165 = tpu.memref_slice %arg3[%select_n3A, %add3A_160, %dma_start3A_164] : memref<4x4096x128xf32, #tpu.memory_space<hbm>> -> memref<1x128x128xf32, #tpu.memory_space<hbm>>
    %dma_start3A_166 = tpu.memref_squeeze %dma_start3A_165 : memref<1x128x128xf32, #tpu.memory_space<hbm>> -> memref<128x128xf32, #tpu.memory_space<hbm>>
    tpu.enqueue_dma source(%arg6 : memref<128x128xf32, #tpu.memory_space<vmem>>) target(%dma_start3A_166 : memref<128x128xf32, #tpu.memory_space<hbm>>) target_semaphore(%arg9 : memref<!tpu.dma_semaphore, #tpu.memory_space<semaphore_mem>>)
    %dma_wait3A_167 = arith.constant 0 : i32
    %dma_wait3A_168 = tpu.memref_slice %arg2[%select_n3A, %add3A_137, %dma_wait3A_167] : memref<4x4096x256xf32, #tpu.memory_space<hbm>> -> memref<1x128x256xf32, #tpu.memory_space<hbm>>
    %dma_wait3A_169 = tpu.memref_squeeze %dma_wait3A_168 : memref<1x128x256xf32, #tpu.memory_space<hbm>> -> memref<128x256xf32, #tpu.memory_space<hbm>>
    %dma_wait3A_170 = arith.constant 0 : i32
    %dma_wait3A_171 = tpu.memref_slice %arg2[%select_n3A, %add3A_137, %dma_wait3A_170] : memref<4x4096x256xf32, #tpu.memory_space<hbm>> -> memref<1x128x256xf32, #tpu.memory_space<hbm>>
    %dma_wait3A_172 = tpu.memref_squeeze %dma_wait3A_171 : memref<1x128x256xf32, #tpu.memory_space<hbm>> -> memref<128x256xf32, #tpu.memory_space<hbm>>
    tpu.wait_dma2 semaphore(%arg8 : memref<!tpu.dma_semaphore, #tpu.memory_space<semaphore_mem>>) src(%dma_wait3A_172 : memref<128x256xf32, #tpu.memory_space<hbm>>) dst(%arg5 : memref<128x256xf32, #tpu.memory_space<vmem>>)
    %dma_wait3A_173 = arith.constant 0 : i32
    %dma_wait3A_174 = tpu.memref_slice %arg3[%select_n3A, %add3A_129, %dma_wait3A_173] : memref<4x4096x128xf32, #tpu.memory_space<hbm>> -> memref<1x128x128xf32, #tpu.memory_space<hbm>>
    %dma_wait3A_175 = tpu.memref_squeeze %dma_wait3A_174 : memref<1x128x128xf32, #tpu.memory_space<hbm>> -> memref<128x128xf32, #tpu.memory_space<hbm>>
    %dma_wait3A_176 = arith.constant 0 : i32
    %dma_wait3A_177 = tpu.memref_slice %arg3[%select_n3A, %add3A_129, %dma_wait3A_176] : memref<4x4096x128xf32, #tpu.memory_space<hbm>> -> memref<1x128x128xf32, #tpu.memory_space<hbm>>
    %dma_wait3A_178 = tpu.memref_squeeze %dma_wait3A_177 : memref<1x128x128xf32, #tpu.memory_space<hbm>> -> memref<128x128xf32, #tpu.memory_space<hbm>>
    tpu.wait_dma2 semaphore(%arg9 : memref<!tpu.dma_semaphore, #tpu.memory_space<semaphore_mem>>) src(%arg7 : memref<128x128xf32, #tpu.memory_space<vmem>>) dst(%dma_wait3A_178 : memref<128x128xf32, #tpu.memory_space<hbm>>)
    %parallel_loop3A_179 = arith.constant 0 : i32
    %parallel_loop3A_180 = arith.constant 128 : i32
    %parallel_loop3A_181 = arith.constant 1 : i32
    scf.for %parallel_loop3A_202 = %parallel_loop3A_179 to %parallel_loop3A_180 step %parallel_loop3A_181  : i32 {
      %parallel_loop3A_203 = arith.constant 0 : i32
      %parallel_loop3A_204 = vector.broadcast %parallel_loop3A_203 : i32 to vector<16xi32>
      %parallel_loop3A_205 = arith.muli %iota3A, %parallel_loop3A_204 : vector<16xi32>
      %parallel_loop3A_206 = vector.broadcast %parallel_loop3A_202 : i32 to vector<16xi32>
      %parallel_loop3A_207 = arith.addi %parallel_loop3A_205, %parallel_loop3A_206 : vector<16xi32>
      %parallel_loop3A_208 = tpu.vector_load_idx %arg5[%parallel_loop3A_207, %add3A_38] : memref<128x256xf32, #tpu.memory_space<vmem>>[vector<16xi32>, vector<16xi32>], vector<16xf32>,
      %parallel_loop3A_209 = arith.index_cast %parallel_loop3A_202 : i32 to index
      %parallel_loop3A_210 = arith.constant 0 : index
      %parallel_loop3A_211 = tpu.vector_load %arg7[%parallel_loop3A_209, %parallel_loop3A_210] {strides = array<i32>} : memref<128x128xf32, #tpu.memory_space<vmem>>, vector<16xf32>,
      tpu.vector_store %arg7[%parallel_loop3A_209, %parallel_loop3A_210], %parallel_loop3A_208 {strides = array<i32>} : memref<128x128xf32, #tpu.memory_space<vmem>>, vector<16xf32>,
      %parallel_loop3A_212 = tpu.vector_load_idx %arg5[%parallel_loop3A_207, %add3A_44] : memref<128x256xf32, #tpu.memory_space<vmem>>[vector<16xi32>, vector<16xi32>], vector<16xf32>,
      %parallel_loop3A_213 = arith.index_cast %parallel_loop3A_202 : i32 to index
      %parallel_loop3A_214 = arith.constant 16 : index
      %parallel_loop3A_215 = tpu.vector_load %arg7[%parallel_loop3A_213, %parallel_loop3A_214] {strides = array<i32>} : memref<128x128xf32, #tpu.memory_space<vmem>>, vector<16xf32>,
      tpu.vector_store %arg7[%parallel_loop3A_213, %parallel_loop3A_214], %parallel_loop3A_212 {strides = array<i32>} : memref<128x128xf32, #tpu.memory_space<vmem>>, vector<16xf32>,
      %parallel_loop3A_216 = tpu.vector_load_idx %arg5[%parallel_loop3A_207, %add3A_50] : memref<128x256xf32, #tpu.memory_space<vmem>>[vector<16xi32>, vector<16xi32>], vector<16xf32>,
      %parallel_loop3A_217 = arith.index_cast %parallel_loop3A_202 : i32 to index
      %parallel_loop3A_218 = arith.constant 32 : index
      %parallel_loop3A_219 = tpu.vector_load %arg7[%parallel_loop3A_217, %parallel_loop3A_218] {strides = array<i32>} : memref<128x128xf32, #tpu.memory_space<vmem>>, vector<16xf32>,
      tpu.vector_store %arg7[%parallel_loop3A_217, %parallel_loop3A_218], %parallel_loop3A_216 {strides = array<i32>} : memref<128x128xf32, #tpu.memory_space<vmem>>, vector<16xf32>,
      %parallel_loop3A_220 = tpu.vector_load_idx %arg5[%parallel_loop3A_207, %add3A_56] : memref<128x256xf32, #tpu.memory_space<vmem>>[vector<16xi32>, vector<16xi32>], vector<16xf32>,
      %parallel_loop3A_221 = arith.index_cast %parallel_loop3A_202 : i32 to index
      %parallel_loop3A_222 = arith.constant 48 : index
      %parallel_loop3A_223 = tpu.vector_load %arg7[%parallel_loop3A_221, %parallel_loop3A_222] {strides = array<i32>} : memref<128x128xf32, #tpu.memory_space<vmem>>, vector<16xf32>,
      tpu.vector_store %arg7[%parallel_loop3A_221, %parallel_loop3A_222], %parallel_loop3A_220 {strides = array<i32>} : memref<128x128xf32, #tpu.memory_space<vmem>>, vector<16xf32>,
      %parallel_loop3A_224 = tpu.vector_load_idx %arg5[%parallel_loop3A_207, %add3A_62] : memref<128x256xf32, #tpu.memory_space<vmem>>[vector<16xi32>, vector<16xi32>], vector<16xf32>,
      %parallel_loop3A_225 = arith.index_cast %parallel_loop3A_202 : i32 to index
      %parallel_loop3A_226 = arith.constant 64 : index
      %parallel_loop3A_227 = tpu.vector_load %arg7[%parallel_loop3A_225, %parallel_loop3A_226] {strides = array<i32>} : memref<128x128xf32, #tpu.memory_space<vmem>>, vector<16xf32>,
      tpu.vector_store %arg7[%parallel_loop3A_225, %parallel_loop3A_226], %parallel_loop3A_224 {strides = array<i32>} : memref<128x128xf32, #tpu.memory_space<vmem>>, vector<16xf32>,
      %parallel_loop3A_228 = tpu.vector_load_idx %arg5[%parallel_loop3A_207, %add3A_68] : memref<128x256xf32, #tpu.memory_space<vmem>>[vector<16xi32>, vector<16xi32>], vector<16xf32>,
      %parallel_loop3A_229 = arith.index_cast %parallel_loop3A_202 : i32 to index
      %parallel_loop3A_230 = arith.constant 80 : index
      %parallel_loop3A_231 = tpu.vector_load %arg7[%parallel_loop3A_229, %parallel_loop3A_230] {strides = array<i32>} : memref<128x128xf32, #tpu.memory_space<vmem>>, vector<16xf32>,
      tpu.vector_store %arg7[%parallel_loop3A_229, %parallel_loop3A_230], %parallel_loop3A_228 {strides = array<i32>} : memref<128x128xf32, #tpu.memory_space<vmem>>, vector<16xf32>,
      %parallel_loop3A_232 = tpu.vector_load_idx %arg5[%parallel_loop3A_207, %add3A_74] : memref<128x256xf32, #tpu.memory_space<vmem>>[vector<16xi32>, vector<16xi32>], vector<16xf32>,
      %parallel_loop3A_233 = arith.index_cast %parallel_loop3A_202 : i32 to index
      %parallel_loop3A_234 = arith.constant 96 : index
      %parallel_loop3A_235 = tpu.vector_load %arg7[%parallel_loop3A_233, %parallel_loop3A_234] {strides = array<i32>} : memref<128x128xf32, #tpu.memory_space<vmem>>, vector<16xf32>,
      tpu.vector_store %arg7[%parallel_loop3A_233, %parallel_loop3A_234], %parallel_loop3A_232 {strides = array<i32>} : memref<128x128xf32, #tpu.memory_space<vmem>>, vector<16xf32>,
      %parallel_loop3A_236 = tpu.vector_load_idx %arg5[%parallel_loop3A_207, %add3A_80] : memref<128x256xf32, #tpu.memory_space<vmem>>[vector<16xi32>, vector<16xi32>], vector<16xf32>,
      %parallel_loop3A_237 = arith.index_cast %parallel_loop3A_202 : i32 to index
      %parallel_loop3A_238 = arith.constant 112 : index
      %parallel_loop3A_239 = tpu.vector_load %arg7[%parallel_loop3A_237, %parallel_loop3A_238] {strides = array<i32>} : memref<128x128xf32, #tpu.memory_space<vmem>>, vector<16xf32>,
      tpu.vector_store %arg7[%parallel_loop3A_237, %parallel_loop3A_238], %parallel_loop3A_236 {strides = array<i32>} : memref<128x128xf32, #tpu.memory_space<vmem>>, vector<16xf32>,
    } {sc.loop_unroll_factor = 4 : i64, sc.parallel_access}
    %add3A_182 = arith.constant 384 : i32
    %add3A_183 = arith.addi %mul3A_32, %add3A_182 : i32
    %dma_start3A_184 = arith.constant 0 : i32
    %dma_start3A_185 = tpu.memref_slice %arg3[%select_n3A, %add3A_183, %dma_start3A_184] : memref<4x4096x128xf32, #tpu.memory_space<hbm>> -> memref<1x128x128xf32, #tpu.memory_space<hbm>>
    %dma_start3A_186 = tpu.memref_squeeze %dma_start3A_185 : memref<1x128x128xf32, #tpu.memory_space<hbm>> -> memref<128x128xf32, #tpu.memory_space<hbm>>
    %dma_start3A_187 = arith.constant 0 : i32
    %dma_start3A_188 = tpu.memref_slice %arg3[%select_n3A, %add3A_183, %dma_start3A_187] : memref<4x4096x128xf32, #tpu.memory_space<hbm>> -> memref<1x128x128xf32, #tpu.memory_space<hbm>>
    %dma_start3A_189 = tpu.memref_squeeze %dma_start3A_188 : memref<1x128x128xf32, #tpu.memory_space<hbm>> -> memref<128x128xf32, #tpu.memory_space<hbm>>
    tpu.enqueue_dma source(%arg7 : memref<128x128xf32, #tpu.memory_space<vmem>>) target(%dma_start3A_189 : memref<128x128xf32, #tpu.memory_space<hbm>>) target_semaphore(%arg9 : memref<!tpu.dma_semaphore, #tpu.memory_space<semaphore_mem>>)
    %dma_wait3A_190 = arith.constant 0 : i32
    %dma_wait3A_191 = tpu.memref_slice %arg3[%select_n3A, %add3A_160, %dma_wait3A_190] : memref<4x4096x128xf32, #tpu.memory_space<hbm>> -> memref<1x128x128xf32, #tpu.memory_space<hbm>>
    %dma_wait3A_192 = tpu.memref_squeeze %dma_wait3A_191 : memref<1x128x128xf32, #tpu.memory_space<hbm>> -> memref<128x128xf32, #tpu.memory_space<hbm>>
    %dma_wait3A_193 = arith.constant 0 : i32
    %dma_wait3A_194 = tpu.memref_slice %arg3[%select_n3A, %add3A_160, %dma_wait3A_193] : memref<4x4096x128xf32, #tpu.memory_space<hbm>> -> memref<1x128x128xf32, #tpu.memory_space<hbm>>
    %dma_wait3A_195 = tpu.memref_squeeze %dma_wait3A_194 : memref<1x128x128xf32, #tpu.memory_space<hbm>> -> memref<128x128xf32, #tpu.memory_space<hbm>>
    tpu.wait_dma2 semaphore(%arg9 : memref<!tpu.dma_semaphore, #tpu.memory_space<semaphore_mem>>) src(%arg6 : memref<128x128xf32, #tpu.memory_space<vmem>>) dst(%dma_wait3A_195 : memref<128x128xf32, #tpu.memory_space<hbm>>)
    %dma_wait3A_196 = arith.constant 0 : i32
    %dma_wait3A_197 = tpu.memref_slice %arg3[%select_n3A, %add3A_183, %dma_wait3A_196] : memref<4x4096x128xf32, #tpu.memory_space<hbm>> -> memref<1x128x128xf32, #tpu.memory_space<hbm>>
    %dma_wait3A_198 = tpu.memref_squeeze %dma_wait3A_197 : memref<1x128x128xf32, #tpu.memory_space<hbm>> -> memref<128x128xf32, #tpu.memory_space<hbm>>
    %dma_wait3A_199 = arith.constant 0 : i32
    %dma_wait3A_200 = tpu.memref_slice %arg3[%select_n3A, %add3A_183, %dma_wait3A_199] : memref<4x4096x128xf32, #tpu.memory_space<hbm>> -> memref<1x128x128xf32, #tpu.memory_space<hbm>>
    %dma_wait3A_201 = tpu.memref_squeeze %dma_wait3A_200 : memref<1x128x128xf32, #tpu.memory_space<hbm>> -> memref<128x128xf32, #tpu.memory_space<hbm>>
    tpu.wait_dma2 semaphore(%arg9 : memref<!tpu.dma_semaphore, #tpu.memory_space<semaphore_mem>>) src(%arg7 : memref<128x128xf32, #tpu.memory_space<vmem>>) dst(%dma_wait3A_201 : memref<128x128xf32, #tpu.memory_space<hbm>>)
    return
  }
}

</mosaic_0001>

<sc_bundles>
// kernel: kernel.3.cloned.1.call-start
scs
__scs_entry_jumppad:
0x0: {  	(pc) =	sbr.rel $0x88, $3  }
0x1: {  	(tag) =	ssettag $0x0;
	lr =	simm.s32 $0x1  }
0x2: {  	[smem:$0x3FA0] =	sst lr;
	_ =	strace $0xD0000000  }
0x3: {  	_ = 	snop  }
0x4: {  	_ = 	snop  }
0x5: {  	_ = 	snop  }
0x6: {  	_ = 	snop  }
0x7: {  	_ = 	snop  }
__scs_overlays_trampoline_lowered:
0x8: {  	[smem:$0x3FAF] =	sst s0  }
0x9: {  	[smem:$0x3FB0] =	sst s1  }
0xa: {  	[smem:$0x3FB1] =	sst s2  }
0xb: {  	[smem:$0x3FB2] =	sst s3  }
0xc: {  	[smem:$0x3FB3] =	sst s4  }
0xd: {  	[smem:$0x3FB4] =	sst s5  }
0xe: {  	[smem:$0x3FB5] =	sst s6  }
0xf: {  	[smem:$0x3FB6] =	sst s7  }
0x10: {  	[smem:$0x3FB7] =	sst s8  }
0x11: {  	[smem:$0x3FB8] =	sst s9;
	s0 =	simm.s32 @!p0 $0x0  }
0x12: {  	s1 =	sld [smem:$0x3F9E];
	s0 =	simm.s32 @p0 $0x1  }
0x13: {  	[smem:$0x3FB9] =	sst s0;
	s0 =	simm.s32 @!p1 $0x0  }
0x14: {  	s2 =	sld [smem:$0x3F9D];
	s0 =	simm.s32 @p1 $0x1  }
0x15: {  	[smem:$0x3FBA] =	sst s0;
	s0 =	simm.s32 @!p2 $0x0  }
0x16: {  	s3 =	sld [smem:$0x3FDB];
	s0 =	simm.s32 @p2 $0x1  }
0x17: {  	s4 =	simm.s32 $0x1BF5;
	[smem:$0x3FBC] =	sst s0  }
0x18: {  	s0 =	sld [smem:$0x3F9F];
	_ =	swait.ge [sflag:s4], $0x0  }
0x19: {  	s7 =	sld [smem:$0x3FA0]  }
0x1a: {  	s8 =	sadd.s32 $0xFFFFE003, lr  }
0x1b: {  	s9 =	sadd.s32 $0xFFFFFEF7, lr;
	s5 =	simm.s32 $0xFFFFFFFF;
	p2 =	slt.u32 s8, $0xFFFFF086  }
0x1c: {  	p1 =	slt.u32 s9, $0xF7A;
	s5 =	simm.s32 @!p2 $0x0  }
0x1d: {  	s5 =	simm.s32 @p1 $0x1;
	p0 =	seq.s32 s7, s2  }
0x1e: {  	s7 =	smul.u32 @!p0 $0xF7A, s2;
	p2 =	seq.s32 @!p0 s5, $0x0  }
0x1f: {  	s9 =	smul.u32 $0xF7A, s1;
	s8 =	simm.s32 @!p0 $0x1BF5;
	p2 =	por !p2, p0  }
0x20: {  	[sflag:s8] =	ssyncset.s32 @!p0 $0xFFFFF086;
	s6 =	sadd.s32 @!p0 s3, s7;
	s7 =	simm.s32 @!p0 $0x108  }
0x21: {  	s3 =	sadd.s32 s3, s9;
	s6 =	sadd.s32 @!p0 $0x88, s6;
	s7 =	simm.s32 @p2 $0x1082  }
0x22: {  	[simem:s7], [sflag:s8] =	dma.local @!p0 [hbm:s6], $0xF7A  }
0x23: {  	s9 =	sor.u32 $0xD0000000, s2;
	s6 =	simm.s32 $0x108;
	_ =	swait.ge @!p0 [sflag:s8], $0x0  }
0x24: {  	s3 =	sadd.s32 $0x88, s3;
	s6 =	simm.s32 @!p1 $0x1082;
	[sflag:s4] =	ssyncset.s32 $0xFFFFF086  }
0x25: {  	[simem:s6], [sflag:s4] =	dma.local [hbm:s3], $0xF7A  }
0x26: {  	[smem:$0x3FA0] =	sst s1;
	(tag) =	ssettag s2;
	_ =	strace s9  }
0x27: {  	s1 =	sld [smem:$0x3FB0]  }
0x28: {  	s2 =	sld [smem:$0x3FB1]  }
0x29: {  	s4 =	sld [smem:$0x3FB3]  }
0x2a: {  	p0 =	seq.s32 s5, $0x0;
	s5 =	sld [smem:$0x3FB4]  }
0x2b: {  	s6 =	sld [smem:$0x3FB5]  }
0x2c: {  	s7 =	sld [smem:$0x3FB6]  }
0x2d: {  	s3 =	simm.s32 $0x108;
	s8 =	sld [smem:$0x3FB7]  }
0x2e: {  	s3 =	simm.s32 @!p0 $0x1082;
	s9 =	sld [smem:$0x3FB8]  }
0x2f: {  	lr =	sadd.s32 s0, s3;
	s0 =	sld [smem:$0x3FAF]  }
0x30: {  	s3 =	sld [smem:$0x3FB2]  }
0x31: {  	[smem:$0x3FBB] =	sst s10  }
0x32: {  	s10 =	sld [smem:$0x3FB9];
	_ =	sdelay $0x3  }
0x33: {  	p0 =	seq.s32 s10, $0x1;
	s10 =	sld [smem:$0x3FBB];
	_ =	sdelay $0x3  }
0x34: {  	[smem:$0x3FBB] =	sst s10  }
0x35: {  	s10 =	sld [smem:$0x3FBA];
	_ =	sdelay $0x3  }
0x36: {  	p1 =	seq.s32 s10, $0x1;
	s10 =	sld [smem:$0x3FBB];
	_ =	sdelay $0x3  }
0x37: {  	[smem:$0x3FBB] =	sst s10  }
0x38: {  	s10 =	sld [smem:$0x3FBC]  }
0x39: {  	_ = 	snop;
	(pc) =	sbr.ind lr, $3  }
0x3a: {  	_ = 	snop  }
0x3b: {  	_ = 	snop  }
0x3c: {  	p2 =	seq.s32 s10, $0x1;
	s10 =	sld [smem:$0x3FBB]  }
0x3d: {  	_ =	shalt  }
0x3e: {  	_ =	shalt  }
0x3f: {  	_ =	shalt  }
0x40: {  	_ =	shalt  }
0x41: {  	_ =	shalt  }
0x42: {  	_ =	shalt  }
0x43: {  	_ =	shalt  }
0x44: {  	_ =	shalt  }
0x45: {  	_ =	shalt  }
0x46: {  	_ =	shalt  }
0x47: {  	_ =	shalt  }
0x48: {  	_ =	shalt  }
0x49: {  	_ =	shalt  }
0x4a: {  	_ =	shalt  }
0x4b: {  	_ =	shalt  }
0x4c: {  	_ =	shalt  }
0x4d: {  	_ =	shalt  }
0x4e: {  	_ =	shalt  }
0x4f: {  	_ =	shalt  }
0x50: {  	_ =	shalt  }
0x51: {  	_ =	shalt  }
0x52: {  	_ =	shalt  }
0x53: {  	_ =	shalt  }
0x54: {  	_ =	shalt  }
0x55: {  	_ =	shalt  }
0x56: {  	_ =	shalt  }
0x57: {  	_ =	shalt  }
0x58: {  	_ =	shalt  }
0x59: {  	_ =	shalt  }
0x5a: {  	_ =	shalt  }
0x5b: {  	_ =	shalt  }
0x5c: {  	_ =	shalt  }
0x5d: {  	_ =	shalt  }
0x5e: {  	_ =	shalt  }
0x5f: {  	_ =	shalt  }
0x60: {  	_ =	shalt  }
0x61: {  	_ =	shalt  }
0x62: {  	_ =	shalt  }
0x63: {  	_ =	shalt  }
0x64: {  	_ =	shalt  }
0x65: {  	_ =	shalt  }
0x66: {  	_ =	shalt  }
0x67: {  	_ =	shalt  }
0x68: {  	_ =	shalt  }
0x69: {  	_ =	shalt  }
0x6a: {  	_ =	shalt  }
0x6b: {  	_ =	shalt  }
0x6c: {  	_ =	shalt  }
0x6d: {  	_ =	shalt  }
0x6e: {  	_ =	shalt  }
0x6f: {  	_ =	shalt  }
0x70: {  	_ =	shalt  }
0x71: {  	_ =	shalt  }
0x72: {  	_ =	shalt  }
0x73: {  	_ =	shalt  }
0x74: {  	_ =	shalt  }
0x75: {  	_ =	shalt  }
0x76: {  	_ =	shalt  }
0x77: {  	_ =	shalt  }
0x78: {  	_ =	shalt  }
0x79: {  	_ =	shalt  }
0x7a: {  	_ =	shalt  }
0x7b: {  	_ =	shalt  }
0x7c: {  	_ =	shalt  }
0x7d: {  	_ =	shalt  }
0x7e: {  	_ =	shalt  }
0x7f: {  	_ =	shalt  }
0x80: {  	_ =	shalt  }
0x81: {  	_ =	shalt  }
0x82: {  	_ =	shalt  }
0x83: {  	_ =	shalt  }
0x84: {  	_ =	shalt  }
0x85: {  	_ =	shalt  }
0x86: {  	_ =	shalt  }
0x87: {  	_ =	shalt  }
.Lfunc_end0:
.L_simem_size_0:
called_computation_lowered:
.L_overlay_start_0:
0x88: {  	s2 =	sld [smem:$0x3FD9]  }
0x89: {  	s3 =	sld [smem:$0x3FFE];
	_ =	sdelay $0x1  }
0x8a: {  	s1 =	srdreg.scid  }
0x8b: {  	s0 =	sand.u32 $0x1, s1  }
0x8c: {  	s18 =	sshll.u32 s0, $0xA;
	s2 =	sadd.s32 s3, s2  }
0x8d: {  	s2 =	sadd.s32 s2, s18  }
0x8e: {  	[smem:$0x3FC7] =	sst s2  }
0x8f: {  	_ = 	snop  }
0x90: {  	s2 =	sld [smem:$0x3FC9]  }
0x91: {  	s19 =	sld [smem:$0x3FD0];
	(tm) =	ssettm $0x1  }
0x92: {  	s4 =	sld [smem:$0x3FFB];
	_ =	sdelay $0x3  }
0x93: {  	_ =	strace s4  }
0x94: {  	s4 =	sld [smem:$0x3FFC];
	_ =	sdelay $0x3  }
0x95: {  	_ =	strace s4  }
0x96: {  	s4 =	sld [smem:$0x3FFD];
	_ =	sdelay $0x3  }
0x97: {  	_ =	strace s4  }
0x98: {  	_ =	strace $0x8FFFFFFF  }
0x99: {  	s20 =	sld [smem:$0x3FDB];
	_ =	sdelay $0x1  }
0x9a: {  	s5 =	simm.s32 $_scs_section_size  }
0x9b: {  	s6 =	simm.s32 $_size__tile_overlayer_lowered;
	s7 =	simm.s32 $_tile_overlayer_lowered  }
0x9c: {  	s23 =	simm.s32 $0x1BFF;
	s22 =	sshll.u32 s7, $0x1;
	s4 =	sadd.s32 s5, s20  }
0x9d: {  	s8 =	simm.s32 $0x0;
	s21 =	sshll.u32 s6, $0x1;
	s6 =	sadd.s32 s22, s4  }
0x9e: {  	[timem:s8], [sflag:s23] =	dma.local [hbm:s6], s21  }
0x9f: {  	_ =	swait.ge [sflag:s23], s21  }
0xa0: {  	s5 =	ssub.s32 $0x0, s21;
	[sflag:s23] =	ssyncset.done $0x0  }
0xa1: {  	[sflag:s23] =	ssyncadd.s32 s5;
	_ =	sdelay $0x1  }
0xa2: {  	s24 =	simm.s32 $0x1B8B  }
0xa3: {  	_ =	swait.ge [sflag:s24], $0x1  }
0xa4: {  	[sflag:s24] =	ssyncset.done $0x0  }
0xa5: {  	s25 =	simm.s32 $0x1B8E;
	[sflag:s24] =	ssyncadd.s32 $0xFFFFFFFF  }
0xa6: {  	s26 =	simm.s32 $execute0_lowered;
	[smem:$0x3FD2] =	sst s25  }
0xa7: {  	s5 =	sshll.u32 s26, $0x1;
	_ =	strace $0x80000046;
	[dreg:$0x1] =	wrdreg $0xFFFFFFFF  }
0xa8: {  	s28 =	simm.s32 $_size_execute0_lowered;
	s4 =	sadd.s32 s4, s5;
	[dreg:$0x0] =	wrdreg $0x0  }
0xa9: {  	s5 =	sshll.u32 s28, $0x1;
	[dreg:$0x2] =	wrdreg s4  }
0xaa: {  	[dreg:$0x3] =	wrdreg s5  }
0xab: {  	[dreg:$0x4] =	wrdreg $0xC0  }
0xac: {  	_ =	task [dreg:s8], $0x5FFFF  }
0xad: {  	[dreg:$0x1] =	wrdreg $0xFFFFFFFF  }
0xae: {  	[dreg:$0x0] =	wrdreg $0x60  }
0xaf: {  	[dreg:$0x2] =	wrdreg s2  }
0xb0: {  	[dreg:$0x3] =	wrdreg s19  }
0xb1: {  	[dreg:$0x4] =	wrdreg $0x9  }
0xb2: {  	_ =	task.clear_ibuf [dreg:s8], $0x5FFFF;
	_ =	strace $0x90000046  }
0xb3: {  	s29 =	simm.s32 $0x9;
	_ =	strace $0x80000048  }
0xb4: {  	_ =	swait.ge [sflag:s29], $0x1  }
0xb5: {  	[sflag:s29] =	ssyncadd.s32 $0xFFFFFFFF  }
0xb6: {  	_ =	strace $0x90000048  }
0xb7: {  	_ =	sfence  }
0xb8: {  	s30 =	sld [smem:$0x0];
	_ =	sdelay $0x2  }
0xb9: {  	s31 =	sshll.u32 s1, $0xD;
	s1 =	sshrl.u32 s1, $0x2  }
0xba: {  	s3 =	sand.u32 $0x4000, s31;
	s1 =	sadd.s32 s1, s30  }
0xbb: {  	s0 =	sor.u32 s3, s0;
	s1 =	sshll.u32 s1, $0x11  }
0xbc: {  	s0 =	sor.u32 s1, s0  }
0xbd: {  	s0 =	sadd.s32 $0x8F2B, s0  }
0xbe: {  	[sflag:s0] =	ssyncadd.remote.s32 $0x1  }
0xbf: {  	_ =	sfence.sel $0xFFFF  }
0xc0: {  	[dreg:$0x0] =	wrdreg $0xFFFFFFFF;
	(pc) =	sbr.abs _section_cstart, $3  }
0xc1: {  	[dreg:$0x1] =	wrdreg $0xFFFFFFFF  }
0xc2: {  	_ =	task.clear_ibuf [dreg:s8], $0x2FFFF;
	_ =	strace $0x9FFFFFFF  }
0xc3: {  	(tm) =	ssettm $0x7FFFFFFF  }
tec
execute0_lowered:
.L_overlay_start_1:
0x0: {  	(tag) =	ssettag $0x1  }
0x1: {  	s8 =	rddreg [dreg:$0x0]  }
0x2: {  	s10 =	rddreg [dreg:$0x1]  }
0x3: {  	s0 =	rddreg [dreg:$0x2];
	s1 =	stileid.u32  }
0x4: {  	s2 =	simm.s32 $0x0;
	s3 =	srdreg.scid;
	s16 =	simm.s32 $0x2  }
0x5: {  	s17 =	simm.s32 $0x0;
	s4 =	sshll.u32 s1, $0x1;
	[smem:$0x7FF] =	sst s2  }
0x6: {  	s3 =	sand.u32 $0x1, s3;
	s5 =	sshrl.u32 s1, $0x2;
	s4 =	sand.u32 $0x6, s4  }
0x7: {  	_ =	strace $0x80000047;
	s9 =	sshll.u32 s5, $0x14;
	s4 =	sor.u32 s3, s4  }
0x8: {  	s23 =	sshll.u32 s5, $0x13;
	s3 =	ssub.s32 $0x2, s3;
	s6 =	sshll.u32 s4, $0x6  }
0x9: {  	s7 =	sshll.u32 s4, $0x11;
	s12 =	sshrl.u32 s3, $0x1;
	s24 =	sshll.u32 s4, $0x10  }
0xa: {  	s7 =	sor.u32 s9, s7;
	s11 =	sor.u32 $0x10, s6;
	s12 =	ssub.s32 s3, s12  }
0xb: {  	s5 =	sor.u32 s23, s24;
	s14 =	sor.u32 $0x20, s6;
	s15 =	sor.u32 $0x30, s6  }
0xc: {  	s7 =	sshrl.u32 s7, $0x3;
	s13 =	sshll.u32 s11, $0xB;
	s5 =	sshrl.u32 s5, $0x3  }
0xd: {  	s25 =	sshll.u32 s14, $0xB;
	s11 =	sshll.u32 s11, $0xA;
	s26 =	sshll.u32 s15, $0xB  }
0xe: {  	s28 =	sshll.u32 s14, $0xA;
	s29 =	sshll.u32 s15, $0xA;
	s14 =	simm.s32 $0x10000  }
0xf: {  	s15 =	simm.s32 $0x14000;
	s3 =	sadd.s32 s8, s7;
	s22 =	sor.u32 s9, s13  }
0x10: {  	s5 =	sadd.s32 s10, s5;
	s11 =	sor.u32 s23, s11;
	s13 =	sor.u32 s23, s29  }
0x11: {  	v0 =	vlaneseq.u32;
	s7 =	sshrl.u32 s22, $0x3;
	s11 =	sshrl.u32 s11, $0x3;
	s31 =	sshrl.u32 s13, $0x3  }
0x12: {  	v0 =	vmul.u32 $0x2, v0;
	s4 =	sadd.s32 s8, s7;
	s7 =	sor.u32 s9, s25;
	s9 =	sor.u32 s9, s26  }
0x13: {  	s13 =	simm.s32 $0x1;
	s7 =	sshrl.u32 s7, $0x3;
	s9 =	sshrl.u32 s9, $0x3  }
0x14: {  	v1 =	vor.u32 $0x20, v0;
	s6 =	sadd.s32 s8, s7;
	s7 =	sadd.s32 s10, s11;
	s11 =	sor.u32 s23, s28  }
0x15: {  	v2 =	vor.u32 $0x40, v0;
	v3 =	vor.u32 $0x60, v0;
	v4 =	vor.u32 $0x400, v0;
	s8 =	sadd.s32 s8, s9;
	s30 =	sshrl.u32 s11, $0x3;
	s11 =	smax.u32 s12, $0x1  }
0x16: {  	v5 =	vor.u32 $0x420, v0;
	v6 =	vor.u32 $0x440, v0;
	v7 =	vor.u32 $0x460, v0;
	s12 =	simm.s32 $0x8000;
	s9 =	sadd.s32 s10, s30;
	s10 =	sadd.s32 s10, s31  }
.LBB2_1:
0x17: {  	s18 =	simm.s32 $0x1  }
0x18: {  	v8 =	vmov s2;
	v9 =	vmov s18  }
0x19: {  	s23 =	simm.s32 $0x3;
	v11 =	vshll.u32 v8, $0x8;
	v10 =	vshll.u32 v9, $0x8;
	v9 =	vshll.u32 v9, $0x7  }
0x1a: {  	v12 =	vmov s23;
	v10 =	vand.u32 $0x7800, v10;
	v9 =	vand.u32 $0x280, v9  }
0x1b: {  	s24 =	simm.s32 $0x2;
	v19 =	vor.u32 v9, v10;
	v9 =	vshll.u32 v12, $0x8;
	v10 =	vshll.u32 v12, $0x7  }
0x1c: {  	v12 =	vmov s24;
	v9 =	vand.u32 $0x7800, v9;
	v10 =	vand.u32 $0x380, v10  }
0x1d: {  	[tilespmem:s2], [sflag:$0x1] =	stream.linear.gather [hbm4b:s3+s2], $0x8000, $0x38;
	v14 =	vshll.u32 v12, $0x8;
	v12 =	vshll.u32 v12, $0x7;
	v13 =	vor.u32 v10, v9;
	[tilespmem:$0x18000] =	vst v63  }
0x1e: {  	v9 =	vand.u32 $0x7800, v14;
	v10 =	vand.u32 $0x300, v12;
	v14 =	vor.u32 v0, v19  }
0x1f: {  	v8 =	vshll.u32 v8, $0x7;
	[tilespmem:s12], [sflag:$0x1] =	stream.linear.gather [hbm4b:s4+s2], $0x8000, $0x38;
	v12 =	vor.u32 v0, v13;
	v20 =	vor.u32 v10, v9;
	[tilespmem:$0x18000] =	vst v63  }
0x20: {  	v15 =	vand.u32 $0x200, v8;
	_ =	swait.ge [sflag:s13], $0x8000;
	v9 =	vand.u32 $0x7800, v11;
	v8 =	vor.u32 v0, v20  }
0x21: {  	[sflag:s13] =	ssyncset.done $0x0;
	v9 =	vor.u32 v15, v9  }
0x22: {  	[sflag:s13] =	ssyncadd.s32 $0xFFFF8000;
	v10 =	vor.u32 v0, v9  }
0x23: {  	v14 =	vld.idx.msk [tilespmem:v14+s2+$0x0], $0xffff  }
0x24: {  	v17 =	vor.u32 v1, v19;
	v12 =	vld.idx.msk [tilespmem:v12+s2+$0x0], $0xffff  }
0x25: {  	v16 =	vor.u32 v1, v13;
	v8 =	vld.idx.msk [tilespmem:v8+s2+$0x0], $0xffff  }
0x26: {  	v18 =	vor.u32 v1, v20  }
0x27: {  	s19 =	simm.s32 $0x10100;
	v10 =	vld.idx.msk [tilespmem:v10+s2+$0x0], $0xffff  }
0x28: {  	v21 =	vor.u32 v1, v9;
	[tilespmem:s19+$0xFFFFFF80] =	vst v14  }
0x29: {  	[tilespmem:s19+$0x80] =	vst v12;
	v14 =	vld.idx.msk [tilespmem:v17+s2+$0x0], $0xffff  }
0x2a: {  	v17 =	vor.u32 v2, v19;
	v12 =	vld.idx.msk [tilespmem:v16+s2+$0x0], $0xffff;
	[tilespmem:s19+$0x0] =	vst v8  }
0x2b: {  	v8 =	vor.u32 v2, v13;
	v16 =	vld.idx.msk [tilespmem:v18+s2+$0x0], $0xffff  }
0x2c: {  	s25 =	simm.s32 $0x4;
	[tilespmem:s19+$0xFFFFFF00] =	vst v10;
	v18 =	vor.u32 v2, v20  }
0x2d: {  	v22 =	vmov s25;
	v23 =	vld.idx.msk [tilespmem:v21+s2+$0x0], $0xffff  }
0x2e: {  	v10 =	vshll.u32 v22, $0x8;
	v21 =	vshll.u32 v22, $0x7;
	v22 =	vor.u32 v2, v9;
	[tilespmem:s19+$0xFFFFFF90] =	vst v14  }
0x2f: {  	s26 =	simm.s32 $0x5;
	v24 =	vand.u32 $0x7800, v10;
	[tilespmem:s19+$0x90] =	vst v12;
	v12 =	vand.u32 $0x200, v21;
	v17 =	vld.idx.msk [tilespmem:v17+s2+$0x0], $0xffff  }
0x30: {  	v25 =	vor.u32 v3, v19;
	v14 =	vld.idx.msk [tilespmem:v8+s2+$0x0], $0xffff;
	v21 =	vor.u32 v12, v24;
	v8 =	vmov s26;
	[tilespmem:s19+$0x10] =	vst v16  }
0x31: {  	v16 =	vor.u32 v3, v13;
	v24 =	vshll.u32 v8, $0x8;
	v8 =	vshll.u32 v8, $0x7;
	v18 =	vld.idx.msk [tilespmem:v18+s2+$0x0], $0xffff  }
0x32: {  	[tilespmem:s19+$0xFFFFFF10] =	vst v23;
	v23 =	vor.u32 v3, v20;
	v24 =	vand.u32 $0x7800, v24;
	v8 =	vand.u32 $0x280, v8  }
0x33: {  	s29 =	simm.s32 $0x7;
	v26 =	vor.u32 v0, v21;
	v22 =	vld.idx.msk [tilespmem:v22+s2+$0x0], $0xffff;
	v8 =	vor.u32 v8, v24  }
0x34: {  	s28 =	simm.s32 $0x6;
	v28 =	vmov s29;
	v9 =	vor.u32 v3, v9;
	v24 =	vor.u32 v0, v8;
	[tilespmem:s19+$0xFFFFFFA0] =	vst v17  }
0x35: {  	v17 =	vor.u32 v15, v11;
	v11 =	vshll.u32 v28, $0x8;
	[tilespmem:s19+$0xA0] =	vst v14;
	v14 =	vmov s28;
	v15 =	vld.idx.msk [tilespmem:v25+s2+$0x0], $0xffff  }
0x36: {  	v25 =	vshll.u32 v28, $0x7;
	v28 =	vor.u32 v4, v19;
	v11 =	vand.u32 $0x7800, v11;
	v16 =	vld.idx.msk [tilespmem:v16+s2+$0x0], $0xffff;
	[tilespmem:s19+$0x20] =	vst v18  }
0x37: {  	v27 =	vshll.u32 v14, $0x8;
	v18 =	vor.u32 v4, v13;
	v25 =	vand.u32 $0x380, v25;
	v23 =	vld.idx.msk [tilespmem:v23+s2+$0x0], $0xffff  }
0x38: {  	v26 =	vld.idx.msk [tilespmem:v26+s2+$0x0], $0xffff;
	v14 =	vshll.u32 v14, $0x7;
	[tilespmem:s19+$0xFFFFFF20] =	vst v22;
	v22 =	vor.u32 v4, v20;
	v11 =	vor.u32 v25, v11  }
0x39: {  	v14 =	vand.u32 $0x300, v14;
	v25 =	vld.idx.msk [tilespmem:v9+s2+$0x0], $0xffff;
	v9 =	vand.u32 $0x7800, v27;
	v27 =	vor.u32 v0, v11  }
0x3a: {  	s30 =	simm.s32 $0x8;
	v29 =	vor.u32 v4, v17;
	v24 =	vld.idx.msk [tilespmem:v24+s2+$0x0], $0xffff;
	v9 =	vor.u32 v14, v9;
	[tilespmem:s19+$0xFFFFFFB0] =	vst v15  }
0x3b: {  	v14 =	vmov s30;
	v30 =	vor.u32 v0, v9;
	[tilespmem:s19+$0xB0] =	vst v16;
	v28 =	vld.idx.msk [tilespmem:v28+s2+$0x0], $0xffff  }
0x3c: {  	v34 =	vor.u32 v1, v8;
	v15 =	vshll.u32 v14, $0x8;
	v14 =	vshll.u32 v14, $0x7;
	v18 =	vld.idx.msk [tilespmem:v18+s2+$0x0], $0xffff;
	[tilespmem:s19+$0x30] =	vst v23  }
0x3d: {  	v31 =	vand.u32 $0x7800, v15;
	v16 =	vand.u32 $0x200, v14;
	v23 =	vor.u32 v5, v13;
	v22 =	vld.idx.msk [tilespmem:v22+s2+$0x0], $0xffff  }
0x3e: {  	v32 =	vor.u32 v5, v19;
	v14 =	vor.u32 v16, v31;
	[tilespmem:s19+$0xFFFFFF30] =	vst v25;
	v25 =	vld.idx.msk [tilespmem:v27+s2+$0x0], $0xffff  }
0x3f: {  	s18 =	simm.s32 $0x10300;
	v31 =	vor.u32 v0, v14;
	v29 =	vld.idx.msk [tilespmem:v29+s2+$0x0], $0xffff  }
0x40: {  	v27 =	vor.u32 v5, v20;
	[tilespmem:s18+$0xFFFFFF80] =	vst v24;
	v30 =	vld.idx.msk [tilespmem:v30+s2+$0x0], $0xffff  }
0x41: {  	v33 =	vor.u32 v1, v11;
	v59 =	vld.idx.msk [tilespmem:v34+s2+$0x0], $0xffff;
	[tilespmem:s19+$0xC0] =	vst v18  }
0x42: {  	[tilespmem:s19+$0xFFFFFFC0] =	vst v28;
	v28 =	vor.u32 v1, v9;
	v23 =	vld.idx.msk [tilespmem:v23+s2+$0x0], $0xffff  }
0x43: {  	v32 =	vld.idx.msk [tilespmem:v32+s2+$0x0], $0xffff;
	[tilespmem:s19+$0x40] =	vst v22;
	v22 =	vor.u32 v6, v13  }
0x44: {  	[tilespmem:s18+$0xFFFFFF00] =	vst v26;
	v18 =	vld.idx.msk [tilespmem:v31+s2+$0x0], $0xffff;
	v31 =	vor.u32 v1, v21  }
0x45: {  	[tilespmem:s18+$0x80] =	vst v25;
	v25 =	vor.u32 v5, v17;
	v27 =	vld.idx.msk [tilespmem:v27+s2+$0x0], $0xffff  }
0x46: {  	v24 =	vld.idx.msk [tilespmem:v33+s2+$0x0], $0xffff;
	[tilespmem:s18+$0x0] =	vst v30;
	v30 =	vor.u32 v6, v19  }
0x47: {  	v60 =	vor.u32 v2, v11;
	v28 =	vld.idx.msk [tilespmem:v28+s2+$0x0], $0xffff;
	[tilespmem:s19+$0xD0] =	vst v23  }
0x48: {  	[tilespmem:s19+$0xFFFFFF40] =	vst v29;
	v23 =	vor.u32 v2, v8;
	v26 =	vld.idx.msk [tilespmem:v22+s2+$0x0], $0xffff  }
0x49: {  	v13 =	vor.u32 v7, v13;
	[tilespmem:s18+$0xFFFFFF90] =	vst v59;
	v31 =	vld.idx.msk [tilespmem:v31+s2+$0x0], $0xffff  }
0x4a: {  	v35 =	vor.u32 v2, v9;
	[tilespmem:s19+$0xFFFFFFD0] =	vst v32;
	v25 =	vld.idx.msk [tilespmem:v25+s2+$0x0], $0xffff  }
0x4b: {  	[tilespmem:s18+$0x90] =	vst v24;
	v24 =	vor.u32 v6, v20;
	v22 =	vld.idx.msk [tilespmem:v30+s2+$0x0], $0xffff  }
0x4c: {  	s20 =	simm.s32 $0x9;
	v29 =	vor.u32 v2, v21;
	v30 =	vld.idx.msk [tilespmem:v60+s2+$0x0], $0xffff;
	[tilespmem:s18+$0x10] =	vst v28  }
0x4d: {  	v63 =	vor.u32 v3, v11;
	v61 =	vld.idx.msk [tilespmem:v23+s2+$0x0], $0xffff;
	[tilespmem:s19+$0xE0] =	vst v26;
	v26 =	vmov s20  }
0x4e: {  	v23 =	vor.u32 v6, v17;
	[tilespmem:s18+$0xFFFFFF10] =	vst v31;
	v28 =	vld.idx.msk [tilespmem:v13+s2+$0x0], $0xffff;
	v13 =	vshll.u32 v26, $0x8;
	v31 =	vshll.u32 v26, $0x7  }
0x4f: {  	v36 =	vor.u32 v3, v8;
	[tilespmem:s19+$0x50] =	vst v27;
	v62 =	vld.idx.msk [tilespmem:v35+s2+$0x0], $0xffff;
	v13 =	vand.u32 $0x7800, v13;
	v27 =	vand.u32 $0x280, v31  }
0x50: {  	v33 =	vor.u32 v3, v9;
	[tilespmem:s19+$0xFFFFFF50] =	vst v25;
	v24 =	vld.idx.msk [tilespmem:v24+s2+$0x0], $0xffff;
	v13 =	vor.u32 v27, v13  }
0x51: {  	v26 =	vld.idx.msk [tilespmem:v29+s2+$0x0], $0xffff;
	[tilespmem:s18+$0xA0] =	vst v30;
	v25 =	vor.u32 v0, v13  }
0x52: {  	s31 =	simm.s32 $0xA;
	v29 =	vor.u32 v3, v21;
	v21 =	vld.idx.msk [tilespmem:v63+s2+$0x0], $0xffff  }
0x53: {  	v30 =	vmov s31;
	v31 =	vor.u32 v7, v19;
	v23 =	vld.idx.msk [tilespmem:v23+s2+$0x0], $0xffff;
	[tilespmem:s18+$0xFFFFFFA0] =	vst v61  }
0x54: {  	s21 =	simm.s32 $0xB;
	v20 =	vor.u32 v7, v20;
	s20 =	simm.s32 $0xC;
	v32 =	vshll.u32 v30, $0x8;
	[tilespmem:s18+$0x20] =	vst v62;
	v27 =	vld.idx.msk [tilespmem:v36+s2+$0x0], $0xffff  }
.LBB2_2:
0x55: {  	p0 =	slt.u32 s20, $0x7C;
	v19 =	vmov s21;
	v34 =	vor.u32 v12, v10;
	v33 =	vld.idx.msk [tilespmem:v33+s2+$0x0], $0xffff;
	v35 =	vor.u32 v4, v11;
	[tilespmem:s19+$0xF0] =	vst v28;
	v10 =	vmovc v15  }
0x56: {  	v12 =	vmovc v16;
	v25 =	vld.idx.msk [tilespmem:v25+s2+$0x0], $0xffff;
	v15 =	vshll.u32 v19, $0x8;
	v19 =	vshll.u32 v19, $0x7;
	[tilespmem:s18+$0xFFFFFF20] =	vst v26;
	v26 =	vor.u32 v4, v8  }
0x57: {  	v15 =	vand.u32 $0x7800, v15;
	v16 =	vand.u32 $0x380, v19;
	v28 =	vld.idx.msk [tilespmem:v29+s2+$0x0], $0xffff;
	v29 =	vor.u32 v4, v9;
	[tilespmem:s19+$0xFFFFFFE0] =	vst v22  }
0x58: {  	v19 =	vshll.u32 v30, $0x7;
	v30 =	vor.u32 v7, v17;
	v22 =	vor.u32 v16, v15;
	v31 =	vld.idx.msk [tilespmem:v31+s2+$0x0], $0xffff;
	[tilespmem:s19+$0x60] =	vst v24  }
0x59: {  	v17 =	vmovc v34;
	v15 =	vand.u32 $0x7800, v32;
	v16 =	vand.u32 $0x300, v19;
	v24 =	vor.u32 v0, v22;
	[tilespmem:s18+$0xB0] =	vst v21;
	v20 =	vld.idx.msk [tilespmem:v20+s2+$0x0], $0xffff  }
0x5a: {  	v19 =	vor.u32 v16, v15;
	v21 =	vor.u32 v4, v17;
	[tilespmem:s18+$0xFFFFFFB0] =	vst v27;
	v27 =	vld.idx.msk [tilespmem:v35+s2+$0x0], $0xffff  }
0x5b: {  	v16 =	vmov s20;
	v32 =	vor.u32 v0, v19;
	v26 =	vld.idx.msk [tilespmem:v26+s2+$0x0], $0xffff;
	[tilespmem:s18+$0x30] =	vst v33  }
0x5c: {  	v15 =	vshll.u32 v16, $0x8;
	v16 =	vshll.u32 v16, $0x7;
	v33 =	vor.u32 v5, v11;
	v29 =	vld.idx.msk [tilespmem:v29+s2+$0x0], $0xffff;
	[tilespmem:s19+$0xFFFFFF60] =	vst v23  }
0x5d: {  	v16 =	vand.u32 $0x200, v16;
	v23 =	vand.u32 $0x7800, v15;
	[tilespmem:s18+$0xFFFFFF30] =	vst v28;
	v28 =	vor.u32 v5, v8;
	v30 =	vld.idx.msk [tilespmem:v30+s2+$0x0], $0xffff  }
0x5e: {  	v34 =	vor.u32 v16, v23;
	v23 =	vld.idx.msk [tilespmem:v24+s2+$0x0], $0xffff;
	v24 =	vor.u32 v5, v9;
	[tilespmem:s19+$0xFFFFFFF0] =	vst v31  }
0x5f: {  	v31 =	vor.u32 v0, v34;
	v21 =	vld.idx.msk [tilespmem:v21+s2+$0x0], $0xffff;
	[tilespmem:s19+$0x70] =	vst v20  }
0x60: {  	v20 =	vld.idx.msk [tilespmem:v32+s2+$0x0], $0xffff;
	v32 =	vor.u32 v1, v22;
	[tilespmem:s18+$0xC0] =	vst v27  }
0x61: {  	v27 =	vor.u32 v1, v13;
	[tilespmem:s18+$0xFFFFFFC0] =	vst v26;
	v26 =	vld.idx.msk [tilespmem:v33+s2+$0x0], $0xffff  }
0x62: {  	v33 =	vor.u32 v1, v19;
	v28 =	vld.idx.msk [tilespmem:v28+s2+$0x0], $0xffff;
	[tilespmem:s18+$0x40] =	vst v29  }
0x63: {  	v29 =	vor.u32 v6, v11;
	v24 =	vld.idx.msk [tilespmem:v24+s2+$0x0], $0xffff;
	[tilespmem:s19+$0xFFFFFF70] =	vst v30;
	s19 =	smov.u32 s18;
	s18 =	sadd.s32 $0x200, s18  }
0x64: {  	v30 =	vld.idx.msk [tilespmem:v31+s2+$0x0], $0xffff;
	v31 =	vor.u32 v1, v14;
	[tilespmem:s18+$0x80] =	vst v23  }
0x65: {  	[tilespmem:s18+$0xFFFFFF80] =	vst v25;
	v23 =	vld.idx.msk [tilespmem:v32+s2+$0x0], $0xffff;
	v25 =	vor.u32 v5, v17  }
0x66: {  	v27 =	vld.idx.msk [tilespmem:v27+s2+$0x0], $0xffff;
	[tilespmem:s18+$0x0] =	vst v20;
	v20 =	vor.u32 v6, v8  }
0x67: {  	v32 =	vld.idx.msk [tilespmem:v33+s2+$0x0], $0xffff;
	v33 =	vor.u32 v2, v22;
	[tilespmem:s19+$0xD0] =	vst v26  }
0x68: {  	v26 =	vor.u32 v2, v13;
	[tilespmem:s18+$0xFFFFFF00] =	vst v18;
	v29 =	vld.idx.msk [tilespmem:v29+s2+$0x0], $0xffff  }
0x69: {  	v35 =	vor.u32 v2, v19;
	v31 =	vld.idx.msk [tilespmem:v31+s2+$0x0], $0xffff;
	[tilespmem:s19+$0xFFFFFF40] =	vst v21  }
0x6a: {  	v18 =	vmov v30;
	v21 =	vld.idx.msk [tilespmem:v25+s2+$0x0], $0xffff;
	[tilespmem:s19+$0xFFFFFFD0] =	vst v28;
	v25 =	vor.u32 v7, v11;
	v11 =	vmov v22  }
0x6b: {  	v30 =	vor.u32 v2, v14;
	[tilespmem:s18+$0x90] =	vst v23;
	v22 =	vld.idx.msk [tilespmem:v20+s2+$0x0], $0xffff  }
0x6c: {  	s21 =	sadd.s32 $0x1, s20;
	v23 =	vor.u32 v6, v9;
	[tilespmem:s18+$0xFFFFFF90] =	vst v27;
	v20 =	vld.idx.msk [tilespmem:v33+s2+$0x0], $0xffff  }
0x6d: {  	v27 =	vmov s21;
	v36 =	vld.idx.msk [tilespmem:v26+s2+$0x0], $0xffff;
	[tilespmem:s18+$0x10] =	vst v32;
	v32 =	vor.u32 v6, v17  }
0x6e: {  	v37 =	vor.u32 v3, v11;
	v26 =	vshll.u32 v27, $0x8;
	v27 =	vshll.u32 v27, $0x7;
	v35 =	vld.idx.msk [tilespmem:v35+s2+$0x0], $0xffff;
	[tilespmem:s19+$0xE0] =	vst v29  }
0x6f: {  	v38 =	vor.u32 v3, v13;
	v26 =	vand.u32 $0x7800, v26;
	v27 =	vand.u32 $0x280, v27;
	[tilespmem:s18+$0xFFFFFF10] =	vst v31;
	v28 =	vld.idx.msk [tilespmem:v25+s2+$0x0], $0xffff  }
.Ltmp0:
0x70: {  	v33 =	vor.u32 v3, v19;
	v27 =	vor.u32 v27, v26;
	v26 =	vld.idx.msk [tilespmem:v30+s2+$0x0], $0xffff;
	[tilespmem:s19+$0x50] =	vst v24;
	(pc) =	sbr.rel @p0 .LBB2_2-.Ltmp0, $4  }
0x71: {  	v25 =	vor.u32 v0, v27;
	[tilespmem:s19+$0xFFFFFF50] =	vst v21;
	v24 =	vld.idx.msk [tilespmem:v23+s2+$0x0], $0xffff  }
0x72: {  	s21 =	sadd.s32 $0x2, s20;
	v29 =	vor.u32 v3, v14;
	v14 =	vmov v34;
	[tilespmem:s18+$0xA0] =	vst v20;
	v23 =	vld.idx.msk [tilespmem:v32+s2+$0x0], $0xffff  }
0x73: {  	v31 =	vor.u32 v7, v8;
	v8 =	vmovc v13;
	v30 =	vmov s21;
	v13 =	vmov v27;
	[tilespmem:s18+$0xFFFFFFA0] =	vst v36;
	v21 =	vld.idx.msk [tilespmem:v37+s2+$0x0], $0xffff  }
0x74: {  	s21 =	sadd.s32 $0x3, s20;
	s20 =	sadd.s32 $0x4, s20;
	v32 =	vshll.u32 v30, $0x8;
	v20 =	vor.u32 v7, v9;
	v9 =	vmov v19;
	v27 =	vld.idx.msk [tilespmem:v38+s2+$0x0], $0xffff;
	[tilespmem:s18+$0x20] =	vst v35  }
0x75: {  	_ =	sdelay $0x1  }
0x76: {  	v19 =	vmov s21;
	[tilespmem:s19+$0xF0] =	vst v28  }
0x77: {  	v55 =	vor.u32 v4, v11;
	[tilespmem:s18+$0xFFFFFF20] =	vst v26;
	v34 =	vshll.u32 v19, $0x8;
	v19 =	vshll.u32 v19, $0x7  }
0x78: {  	v28 =	vld.idx.msk [tilespmem:v33+s2+$0x0], $0xffff;
	v26 =	vor.u32 v4, v8;
	[tilespmem:s19+$0xFFFFFFE0] =	vst v22;
	v34 =	vand.u32 $0x7800, v34;
	v19 =	vand.u32 $0x380, v19  }
0x79: {  	v30 =	vshll.u32 v30, $0x7;
	v22 =	vld.idx.msk [tilespmem:v29+s2+$0x0], $0xffff;
	v29 =	vor.u32 v4, v9;
	[tilespmem:s19+$0x60] =	vst v24;
	v19 =	vor.u32 v19, v34  }
0x7a: {  	v24 =	vld.idx.msk [tilespmem:v31+s2+$0x0], $0xffff;
	v31 =	vand.u32 $0x7800, v32;
	v30 =	vand.u32 $0x300, v30;
	[tilespmem:s19+$0xFFFFFF60] =	vst v23;
	v56 =	vor.u32 v0, v19  }
0x7b: {  	[tilespmem:s18+$0xB0] =	vst v21;
	v21 =	vld.idx.msk [tilespmem:v20+s2+$0x0], $0xffff;
	v20 =	vor.u32 v30, v31  }
0x7c: {  	[tilespmem:s18+$0xFFFFFFB0] =	vst v27;
	v30 =	vor.u32 v0, v20;
	v27 =	vld.idx.msk [tilespmem:v55+s2+$0x0], $0xffff  }
0x7d: {  	[tilespmem:s18+$0x30] =	vst v28;
	v26 =	vld.idx.msk [tilespmem:v26+s2+$0x0], $0xffff  }
0x7e: {  	v17 =	vor.u32 v7, v17;
	v23 =	vld.idx.msk [tilespmem:v29+s2+$0x0], $0xffff;
	[tilespmem:s18+$0xFFFFFF30] =	vst v22  }
0x7f: {  	v22 =	vor.u32 v5, v11;
	[tilespmem:s19+$0xFFFFFFF0] =	vst v24;
	v28 =	vld.idx.msk [tilespmem:v56+s2+$0x0], $0xffff  }
0x80: {  	v24 =	vld.idx.msk [tilespmem:v25+s2+$0x0], $0xffff;
	[tilespmem:s19+$0x70] =	vst v21;
	v21 =	vor.u32 v1, v19  }
0x81: {  	v25 =	vld.idx.msk [tilespmem:v30+s2+$0x0], $0xffff;
	[tilespmem:s18+$0xC0] =	vst v27;
	v27 =	vor.u32 v1, v13  }
0x82: {  	[tilespmem:s18+$0xFFFFFFC0] =	vst v26;
	v26 =	vor.u32 v1, v20  }
0x83: {  	v10 =	vor.u32 v12, v10;
	s20 =	sadd.s32 $0x200, s18;
	v12 =	vld.idx.msk [tilespmem:v17+s2+$0x0], $0xffff;
	v17 =	vor.u32 v1, v14;
	[tilespmem:s18+$0x40] =	vst v23  }
0x84: {  	v23 =	vor.u32 v4, v10;
	v22 =	vld.idx.msk [tilespmem:v22+s2+$0x0], $0xffff;
	[tilespmem:s20+$0x80] =	vst v28  }
0x85: {  	[tilespmem:s20+$0xFFFFFF80] =	vst v24;
	v28 =	vor.u32 v5, v8;
	v21 =	vld.idx.msk [tilespmem:v21+s2+$0x0], $0xffff  }
0x86: {  	[tilespmem:s20+$0x0] =	vst v25;
	v25 =	vor.u32 v2, v19;
	v24 =	vld.idx.msk [tilespmem:v27+s2+$0x0], $0xffff  }
0x87: {  	[tilespmem:s20+$0xFFFFFF00] =	vst v18;
	v18 =	vor.u32 v2, v13;
	v26 =	vld.idx.msk [tilespmem:v26+s2+$0x0], $0xffff  }
0x88: {  	[tilespmem:s19+$0xFFFFFF70] =	vst v12;
	v12 =	vld.idx.msk [tilespmem:v17+s2+$0x0], $0xffff;
	v17 =	vor.u32 v2, v20  }
0x89: {  	v23 =	vld.idx.msk [tilespmem:v23+s2+$0x0], $0xffff;
	[tilespmem:s18+$0xD0] =	vst v22;
	v22 =	vor.u32 v2, v14  }
0x8a: {  	v27 =	vld.idx.msk [tilespmem:v28+s2+$0x0], $0xffff;
	v28 =	vor.u32 v6, v11;
	[tilespmem:s20+$0x90] =	vst v21  }
0x8b: {  	v21 =	vor.u32 v5, v9;
	[tilespmem:s20+$0xFFFFFF90] =	vst v24;
	v24 =	vld.idx.msk [tilespmem:v25+s2+$0x0], $0xffff  }
0x8c: {  	[tilespmem:s20+$0x10] =	vst v26;
	v18 =	vld.idx.msk [tilespmem:v18+s2+$0x0], $0xffff;
	v25 =	vor.u32 v3, v19  }
0x8d: {  	[tilespmem:s20+$0xFFFFFF10] =	vst v12;
	v12 =	vor.u32 v3, v13;
	v17 =	vld.idx.msk [tilespmem:v17+s2+$0x0], $0xffff  }
0x8e: {  	[tilespmem:s18+$0xFFFFFF40] =	vst v23;
	v22 =	vld.idx.msk [tilespmem:v22+s2+$0x0], $0xffff;
	v23 =	vor.u32 v3, v20  }
0x8f: {  	v14 =	vor.u32 v3, v14;
	v26 =	vld.idx.msk [tilespmem:v28+s2+$0x0], $0xffff;
	[tilespmem:s18+$0xFFFFFFD0] =	vst v27  }
0x90: {  	v27 =	vor.u32 v5, v10;
	v21 =	vld.idx.msk [tilespmem:v21+s2+$0x0], $0xffff;
	[tilespmem:s20+$0xA0] =	vst v24  }
0x91: {  	v11 =	vor.u32 v7, v11;
	[tilespmem:s20+$0xFFFFFFA0] =	vst v18;
	v18 =	vld.idx.msk [tilespmem:v25+s2+$0x0], $0xffff  }
0x92: {  	[tilespmem:s20+$0x20] =	vst v17;
	v17 =	vor.u32 v4, v19;
	v12 =	vld.idx.msk [tilespmem:v12+s2+$0x0], $0xffff  }
0x93: {  	[tilespmem:s20+$0xFFFFFF20] =	vst v22;
	v22 =	vor.u32 v4, v13;
	v23 =	vld.idx.msk [tilespmem:v23+s2+$0x0], $0xffff  }
0x94: {  	v15 =	vor.u32 v16, v15;
	v16 =	vor.u32 v4, v20;
	v14 =	vld.idx.msk [tilespmem:v14+s2+$0x0], $0xffff;
	[tilespmem:s18+$0xE0] =	vst v26  }
0x95: {  	v24 =	vld.idx.msk [tilespmem:v27+s2+$0x0], $0xffff;
	[tilespmem:s18+$0x50] =	vst v21;
	v21 =	vor.u32 v4, v15  }
0x96: {  	v25 =	vor.u32 v6, v8;
	v11 =	vld.idx.msk [tilespmem:v11+s2+$0x0], $0xffff;
	[tilespmem:s20+$0xB0] =	vst v18  }
0x97: {  	v18 =	vor.u32 v6, v9;
	[tilespmem:s20+$0xFFFFFFB0] =	vst v12;
	v12 =	vld.idx.msk [tilespmem:v17+s2+$0x0], $0xffff  }
0x98: {  	[tilespmem:s20+$0x30] =	vst v23;
	v17 =	vld.idx.msk [tilespmem:v22+s2+$0x0], $0xffff;
	v22 =	vor.u32 v5, v19  }
0x99: {  	[tilespmem:s20+$0xFFFFFF30] =	vst v14;
	v14 =	vor.u32 v5, v13;
	v16 =	vld.idx.msk [tilespmem:v16+s2+$0x0], $0xffff  }
0x9a: {  	v23 =	vor.u32 v5, v20;
	[tilespmem:s18+$0xFFFFFF50] =	vst v24;
	v21 =	vld.idx.msk [tilespmem:v21+s2+$0x0], $0xffff  }
0x9b: {  	v24 =	vld.idx.msk [tilespmem:v25+s2+$0x0], $0xffff;
	[tilespmem:s18+$0xF0] =	vst v11;
	v11 =	vor.u32 v5, v15  }
0x9c: {  	v25 =	vor.u32 v6, v10;
	v18 =	vld.idx.msk [tilespmem:v18+s2+$0x0], $0xffff;
	[tilespmem:s20+$0xC0] =	vst v12  }
0x9d: {  	v8 =	vor.u32 v7, v8;
	[tilespmem:s20+$0xFFFFFFC0] =	vst v17;
	v12 =	vld.idx.msk [tilespmem:v22+s2+$0x0], $0xffff  }
0x9e: {  	[tilespmem:s20+$0x40] =	vst v16;
	v16 =	vor.u32 v6, v19;
	v14 =	vld.idx.msk [tilespmem:v14+s2+$0x0], $0xffff  }
0x9f: {  	v17 =	vld.idx.msk [tilespmem:v23+s2+$0x0], $0xffff;
	v22 =	vor.u32 v6, v13;
	[tilespmem:s20+$0xFFFFFF40] =	vst v21  }
0xa0: {  	[tilespmem:s18+$0xFFFFFFE0] =	vst v24;
	v21 =	vor.u32 v6, v20;
	v11 =	vld.idx.msk [tilespmem:v11+s2+$0x0], $0xffff  }
0xa1: {  	v23 =	vld.idx.msk [tilespmem:v25+s2+$0x0], $0xffff;
	[tilespmem:s18+$0x60] =	vst v18;
	v18 =	vor.u32 v6, v15  }
0xa2: {  	v9 =	vor.u32 v7, v9;
	v8 =	vld.idx.msk [tilespmem:v8+s2+$0x0], $0xffff;
	[tilespmem:s20+$0xD0] =	vst v12  }
0xa3: {  	v10 =	vor.u32 v7, v10;
	[tilespmem:s20+$0xFFFFFFD0] =	vst v14;
	v12 =	vld.idx.msk [tilespmem:v16+s2+$0x0], $0xffff  }
0xa4: {  	v14 =	vor.u32 v7, v19;
	[tilespmem:s20+$0x50] =	vst v17;
	v16 =	vld.idx.msk [tilespmem:v22+s2+$0x0], $0xffff  }
0xa5: {  	v13 =	vor.u32 v7, v13;
	[tilespmem:s20+$0xFFFFFF50] =	vst v11;
	v11 =	vld.idx.msk [tilespmem:v21+s2+$0x0], $0xffff  }
0xa6: {  	[tilespmem:s18+$0xFFFFFF60] =	vst v23;
	v17 =	vld.idx.msk [tilespmem:v18+s2+$0x0], $0xffff;
	v18 =	vor.u32 v7, v20  }
0xa7: {  	v9 =	vld.idx.msk [tilespmem:v9+s2+$0x0], $0xffff;
	[tilespmem:s18+$0xFFFFFFF0] =	vst v8;
	v8 =	vor.u32 v7, v15  }
0xa8: {  	v10 =	vld.idx.msk [tilespmem:v10+s2+$0x0], $0xffff;
	[tilespmem:s20+$0xE0] =	vst v12  }
0xa9: {  	[tilespmem:s20+$0xFFFFFFE0] =	vst v16;
	v12 =	vld.idx.msk [tilespmem:v14+s2+$0x0], $0xffff  }
0xaa: {  	v13 =	vld.idx.msk [tilespmem:v13+s2+$0x0], $0xffff;
	[tilespmem:s20+$0x60] =	vst v11  }
0xab: {  	v11 =	vld.idx.msk [tilespmem:v18+s2+$0x0], $0xffff;
	[tilespmem:s20+$0xFFFFFF60] =	vst v17  }
0xac: {  	s30 =	simm.s32 $0x0;
	s31 =	simm.s32 $0x1;
	[tilespmem:s18+$0x70] =	vst v9;
	v8 =	vld.idx.msk [tilespmem:v8+s2+$0x0], $0xffff  }
0xad: {  	v9 =	vmov s30;
	[tilespmem:s18+$0xFFFFFF70] =	vst v10;
	v10 =	vmov s31  }
0xae: {  	s22 =	simm.s32 $0x3;
	v14 =	vshll.u32 v9, $0x8;
	[tilespmem:s20+$0xF0] =	vst v12;
	v12 =	vshll.u32 v10, $0x8;
	v10 =	vshll.u32 v10, $0x7  }
0xaf: {  	[tilespmem:s20+$0xFFFFFFF0] =	vst v13;
	v13 =	vmov s22;
	v12 =	vand.u32 $0x7800, v12;
	v10 =	vand.u32 $0x280, v10  }
0xb0: {  	s23 =	simm.s32 $0x2;
	[tilespmem:s20+$0x70] =	vst v11;
	v11 =	vshll.u32 v13, $0x7;
	v19 =	vor.u32 v10, v12;
	v10 =	vshll.u32 v13, $0x8  }
0xb1: {  	[tilespmem:s20+$0xFFFFFF70] =	vst v8;
	v8 =	vmov s23;
	v11 =	vand.u32 $0x380, v11;
	v10 =	vand.u32 $0x7800, v10  }
0xb2: {  	[hbm4b:s5+s30] =	stream.linear.scatter [tilespmem:s14], [sflag:$0x2], $0x4000, $0x38;
	v12 =	vshll.u32 v8, $0x8;
	v8 =	vshll.u32 v8, $0x7;
	v13 =	vor.u32 v11, v10;
	[tilespmem:$0x18000] =	vst v63  }
0xb3: {  	v10 =	vand.u32 $0x7800, v12;
	v8 =	vand.u32 $0x300, v8;
	v11 =	vor.u32 v0, v13  }
0xb4: {  	v9 =	vshll.u32 v9, $0x7;
	v12 =	vor.u32 v0, v19;
	[tilespmem:s30], [sflag:$0x1] =	stream.linear.gather [hbm4b:s6+s30], $0x8000, $0x38;
	v20 =	vor.u32 v8, v10;
	[tilespmem:$0x18000] =	vst v63  }
0xb5: {  	v9 =	vand.u32 $0x200, v9;
	v8 =	vand.u32 $0x7800, v14;
	_ =	swait.ge [sflag:s13], $0x8000;
	v10 =	vor.u32 v0, v20  }
0xb6: {  	v15 =	vor.u32 v9, v8;
	[sflag:s13] =	ssyncset.done $0x0  }
0xb7: {  	v8 =	vor.u32 v0, v15;
	[sflag:s13] =	ssyncadd.s32 $0xFFFF8000  }
0xb8: {  	v11 =	vld.idx.msk [tilespmem:v11+s12+$0x0], $0xffff  }
0xb9: {  	v16 =	vor.u32 v1, v13;
	v12 =	vld.idx.msk [tilespmem:v12+s12+$0x0], $0xffff  }
0xba: {  	v17 =	vor.u32 v1, v19;
	v10 =	vld.idx.msk [tilespmem:v10+s12+$0x0], $0xffff  }
0xbb: {  	v18 =	vor.u32 v1, v20  }
0xbc: {  	s19 =	simm.s32 $0x14100;
	v8 =	vld.idx.msk [tilespmem:v8+s12+$0x0], $0xffff  }
0xbd: {  	v21 =	vor.u32 v1, v15;
	[tilespmem:s19+$0x80] =	vst v11  }
0xbe: {  	[tilespmem:s19+$0xFFFFFF80] =	vst v12;
	v11 =	vld.idx.msk [tilespmem:v16+s12+$0x0], $0xffff  }
0xbf: {  	v16 =	vld.idx.msk [tilespmem:v17+s12+$0x0], $0xffff;
	[tilespmem:s19+$0x0] =	vst v10;
	v17 =	vor.u32 v2, v13  }
0xc0: {  	v22 =	vor.u32 v2, v19;
	v18 =	vld.idx.msk [tilespmem:v18+s12+$0x0], $0xffff  }
0xc1: {  	s24 =	simm.s32 $0x4;
	[tilespmem:s19+$0xFFFFFF00] =	vst v8;
	v8 =	vor.u32 v2, v20  }
0xc2: {  	v12 =	vmov s24;
	v23 =	vld.idx.msk [tilespmem:v21+s12+$0x0], $0xffff  }
0xc3: {  	v24 =	vor.u32 v2, v15;
	v10 =	vshll.u32 v12, $0x8;
	v12 =	vshll.u32 v12, $0x7;
	[tilespmem:s19+$0x90] =	vst v11  }
0xc4: {  	s25 =	simm.s32 $0x5;
	v12 =	vand.u32 $0x200, v12;
	v11 =	vand.u32 $0x7800, v10;
	[tilespmem:s19+$0xFFFFFF90] =	vst v16;
	v16 =	vld.idx.msk [tilespmem:v17+s12+$0x0], $0xffff  }
0xc5: {  	v21 =	vor.u32 v12, v11;
	v11 =	vmov s25;
	v17 =	vld.idx.msk [tilespmem:v22+s12+$0x0], $0xffff;
	[tilespmem:s19+$0x10] =	vst v18;
	v18 =	vor.u32 v3, v13  }
0xc6: {  	v26 =	vor.u32 v3, v19;
	v22 =	vshll.u32 v11, $0x8;
	v11 =	vshll.u32 v11, $0x7;
	v25 =	vld.idx.msk [tilespmem:v8+s12+$0x0], $0xffff  }
0xc7: {  	[tilespmem:s19+$0xFFFFFF10] =	vst v23;
	v8 =	vand.u32 $0x7800, v22;
	v11 =	vand.u32 $0x280, v11;
	v22 =	vor.u32 v3, v20  }
0xc8: {  	s28 =	simm.s32 $0x7;
	v23 =	vor.u32 v0, v21;
	v8 =	vor.u32 v11, v8;
	v11 =	vld.idx.msk [tilespmem:v24+s12+$0x0], $0xffff  }
0xc9: {  	s26 =	simm.s32 $0x6;
	v28 =	vmov s28;
	v29 =	vor.u32 v4, v20;
	v15 =	vor.u32 v3, v15;
	[tilespmem:s19+$0xA0] =	vst v16  }
0xca: {  	v24 =	vor.u32 v0, v8;
	v16 =	vmov s26;
	[tilespmem:s19+$0xFFFFFFA0] =	vst v17;
	v17 =	vor.u32 v9, v14;
	v18 =	vld.idx.msk [tilespmem:v18+s12+$0x0], $0xffff  }
0xcb: {  	v9 =	vshll.u32 v28, $0x8;
	v14 =	vld.idx.msk [tilespmem:v26+s12+$0x0], $0xffff;
	[tilespmem:s19+$0x20] =	vst v25;
	v25 =	vor.u32 v4, v13;
	v26 =	vshll.u32 v28, $0x7  }
0xcc: {  	v28 =	vor.u32 v4, v19;
	v9 =	vand.u32 $0x7800, v9;
	v22 =	vld.idx.msk [tilespmem:v22+s12+$0x0], $0xffff;
	v26 =	vand.u32 $0x380, v26  }
0xcd: {  	v27 =	vshll.u32 v16, $0x8;
	v23 =	vld.idx.msk [tilespmem:v23+s12+$0x0], $0xffff;
	v16 =	vshll.u32 v16, $0x7;
	[tilespmem:s19+$0xFFFFFF20] =	vst v11;
	v11 =	vor.u32 v26, v9  }
0xce: {  	v9 =	vand.u32 $0x7800, v27;
	v26 =	vld.idx.msk [tilespmem:v15+s12+$0x0], $0xffff;
	v15 =	vand.u32 $0x300, v16;
	v27 =	vor.u32 v0, v11  }
0xcf: {  	s29 =	simm.s32 $0x8;
	v24 =	vld.idx.msk [tilespmem:v24+s12+$0x0], $0xffff;
	v9 =	vor.u32 v15, v9;
	[tilespmem:s19+$0xB0] =	vst v18;
	v18 =	vor.u32 v4, v17  }
0xd0: {  	[tilespmem:s19+$0xFFFFFFB0] =	vst v14;
	v14 =	vmov s29;
	v30 =	vor.u32 v0, v9;
	v25 =	vld.idx.msk [tilespmem:v25+s12+$0x0], $0xffff  }
0xd1: {  	v28 =	vld.idx.msk [tilespmem:v28+s12+$0x0], $0xffff;
	[tilespmem:s19+$0x30] =	vst v22;
	v15 =	vshll.u32 v14, $0x8;
	v14 =	vshll.u32 v14, $0x7;
	v22 =	vor.u32 v5, v13  }
0xd2: {  	v57 =	vor.u32 v5, v19;
	v29 =	vld.idx.msk [tilespmem:v29+s12+$0x0], $0xffff;
	v31 =	vand.u32 $0x7800, v15;
	v16 =	vand.u32 $0x200, v14  }
0xd3: {  	[tilespmem:s19+$0xFFFFFF30] =	vst v26;
	v14 =	vor.u32 v16, v31;
	v26 =	vld.idx.msk [tilespmem:v27+s12+$0x0], $0xffff;
	v27 =	vor.u32 v5, v20  }
0xd4: {  	v31 =	vor.u32 v0, v14;
	v58 =	vld.idx.msk [tilespmem:v18+s12+$0x0], $0xffff  }
0xd5: {  	v59 =	vor.u32 v1, v11;
	v30 =	vld.idx.msk [tilespmem:v30+s12+$0x0], $0xffff;
	[tilespmem:s19+$0xC0] =	vst v25  }
0xd6: {  	v25 =	vor.u32 v1, v8;
	[tilespmem:s19+$0xFFFFFFC0] =	vst v28;
	v22 =	vld.idx.msk [tilespmem:v22+s12+$0x0], $0xffff  }
0xd7: {  	s18 =	simm.s32 $0x14300;
	v28 =	vor.u32 v1, v9;
	v32 =	vld.idx.msk [tilespmem:v57+s12+$0x0], $0xffff;
	[tilespmem:s19+$0x40] =	vst v29  }
0xd8: {  	[tilespmem:s18+$0xFFFFFF00] =	vst v23;
	v29 =	vor.u32 v6, v13;
	v27 =	vld.idx.msk [tilespmem:v27+s12+$0x0], $0xffff  }
0xd9: {  	[tilespmem:s18+$0x80] =	vst v26;
	v26 =	vor.u32 v5, v17;
	v18 =	vld.idx.msk [tilespmem:v31+s12+$0x0], $0xffff  }
0xda: {  	[tilespmem:s18+$0xFFFFFF80] =	vst v24;
	v31 =	vor.u32 v1, v21;
	v24 =	vld.idx.msk [tilespmem:v59+s12+$0x0], $0xffff  }
0xdb: {  	[tilespmem:s18+$0x0] =	vst v30;
	v30 =	vor.u32 v6, v19;
	v25 =	vld.idx.msk [tilespmem:v25+s12+$0x0], $0xffff  }
0xdc: {  	v60 =	vor.u32 v2, v11;
	v28 =	vld.idx.msk [tilespmem:v28+s12+$0x0], $0xffff;
	[tilespmem:s19+$0xD0] =	vst v22  }
0xdd: {  	v23 =	vor.u32 v2, v8;
	[tilespmem:s19+$0xFFFFFF40] =	vst v58;
	v29 =	vld.idx.msk [tilespmem:v29+s12+$0x0], $0xffff  }
0xde: {  	v13 =	vor.u32 v7, v13;
	[tilespmem:s19+$0xFFFFFFD0] =	vst v32;
	v33 =	vld.idx.msk [tilespmem:v26+s12+$0x0], $0xffff  }
0xdf: {  	v35 =	vor.u32 v2, v9;
	[tilespmem:s19+$0x50] =	vst v27;
	v31 =	vld.idx.msk [tilespmem:v31+s12+$0x0], $0xffff  }
0xe0: {  	[tilespmem:s18+$0x90] =	vst v24;
	v24 =	vor.u32 v6, v20;
	v22 =	vld.idx.msk [tilespmem:v30+s12+$0x0], $0xffff  }
0xe1: {  	s30 =	simm.s32 $0x9;
	v26 =	vor.u32 v2, v21;
	[tilespmem:s18+$0xFFFFFF90] =	vst v25;
	v25 =	vld.idx.msk [tilespmem:v60+s12+$0x0], $0xffff  }
0xe2: {  	v61 =	vld.idx.msk [tilespmem:v23+s12+$0x0], $0xffff;
	v23 =	vor.u32 v6, v17;
	[tilespmem:s19+$0xE0] =	vst v29;
	v29 =	vmov s30  }
0xe3: {  	v63 =	vor.u32 v3, v11;
	[tilespmem:s18+$0x10] =	vst v28;
	v28 =	vld.idx.msk [tilespmem:v13+s12+$0x0], $0xffff;
	v13 =	vshll.u32 v29, $0x8;
	v29 =	vshll.u32 v29, $0x7  }
0xe4: {  	v36 =	vor.u32 v3, v8;
	v62 =	vld.idx.msk [tilespmem:v35+s12+$0x0], $0xffff;
	[tilespmem:s19+$0xFFFFFF50] =	vst v33;
	v13 =	vand.u32 $0x7800, v13;
	v27 =	vand.u32 $0x280, v29  }
0xe5: {  	v33 =	vor.u32 v3, v9;
	[tilespmem:s18+$0xFFFFFF10] =	vst v31;
	v24 =	vld.idx.msk [tilespmem:v24+s12+$0x0], $0xffff;
	v13 =	vor.u32 v27, v13  }
0xe6: {  	v26 =	vld.idx.msk [tilespmem:v26+s12+$0x0], $0xffff;
	[tilespmem:s18+$0xA0] =	vst v25;
	v25 =	vor.u32 v0, v13  }
0xe7: {  	s31 =	simm.s32 $0xA;
	v29 =	vor.u32 v3, v21;
	v23 =	vld.idx.msk [tilespmem:v23+s12+$0x0], $0xffff  }
0xe8: {  	v30 =	vmov s31;
	v31 =	vor.u32 v7, v19;
	[tilespmem:s18+$0xFFFFFFA0] =	vst v61;
	v21 =	vld.idx.msk [tilespmem:v63+s12+$0x0], $0xffff  }
0xe9: {  	s21 =	simm.s32 $0xB;
	s20 =	simm.s32 $0xC;
	v20 =	vor.u32 v7, v20;
	v32 =	vshll.u32 v30, $0x8;
	[tilespmem:s18+$0x20] =	vst v62;
	v27 =	vld.idx.msk [tilespmem:v36+s12+$0x0], $0xffff  }
.LBB2_4:
0xea: {  	p0 =	slt.u32 s20, $0x7C;
	v19 =	vmov s21;
	v34 =	vor.u32 v12, v10;
	v33 =	vld.idx.msk [tilespmem:v33+s12+$0x0], $0xffff;
	v35 =	vor.u32 v4, v11;
	[tilespmem:s19+$0xF0] =	vst v28;
	v10 =	vmovc v15  }
0xeb: {  	v12 =	vmovc v16;
	v25 =	vld.idx.msk [tilespmem:v25+s12+$0x0], $0xffff;
	v15 =	vshll.u32 v19, $0x8;
	v19 =	vshll.u32 v19, $0x7;
	[tilespmem:s18+$0xFFFFFF20] =	vst v26;
	v26 =	vor.u32 v4, v8  }
0xec: {  	v15 =	vand.u32 $0x7800, v15;
	v16 =	vand.u32 $0x380, v19;
	v28 =	vld.idx.msk [tilespmem:v29+s12+$0x0], $0xffff;
	v29 =	vor.u32 v4, v9;
	[tilespmem:s19+$0xFFFFFFE0] =	vst v22  }
0xed: {  	v19 =	vshll.u32 v30, $0x7;
	v30 =	vor.u32 v7, v17;
	v22 =	vor.u32 v16, v15;
	v31 =	vld.idx.msk [tilespmem:v31+s12+$0x0], $0xffff;
	[tilespmem:s19+$0x60] =	vst v24  }
0xee: {  	v17 =	vmovc v34;
	v15 =	vand.u32 $0x7800, v32;
	v16 =	vand.u32 $0x300, v19;
	v24 =	vor.u32 v0, v22;
	[tilespmem:s18+$0xB0] =	vst v21;
	v20 =	vld.idx.msk [tilespmem:v20+s12+$0x0], $0xffff  }
0xef: {  	v19 =	vor.u32 v16, v15;
	v21 =	vor.u32 v4, v17;
	[tilespmem:s18+$0xFFFFFFB0] =	vst v27;
	v27 =	vld.idx.msk [tilespmem:v35+s12+$0x0], $0xffff  }
0xf0: {  	v16 =	vmov s20;
	v32 =	vor.u32 v0, v19;
	v26 =	vld.idx.msk [tilespmem:v26+s12+$0x0], $0xffff;
	[tilespmem:s18+$0x30] =	vst v33  }
0xf1: {  	v15 =	vshll.u32 v16, $0x8;
	v16 =	vshll.u32 v16, $0x7;
	v33 =	vor.u32 v5, v11;
	v29 =	vld.idx.msk [tilespmem:v29+s12+$0x0], $0xffff;
	[tilespmem:s19+$0xFFFFFF60] =	vst v23  }
0xf2: {  	v16 =	vand.u32 $0x200, v16;
	v23 =	vand.u32 $0x7800, v15;
	[tilespmem:s18+$0xFFFFFF30] =	vst v28;
	v28 =	vor.u32 v5, v8;
	v30 =	vld.idx.msk [tilespmem:v30+s12+$0x0], $0xffff  }
0xf3: {  	v34 =	vor.u32 v16, v23;
	v23 =	vld.idx.msk [tilespmem:v24+s12+$0x0], $0xffff;
	v24 =	vor.u32 v5, v9;
	[tilespmem:s19+$0xFFFFFFF0] =	vst v31  }
0xf4: {  	v31 =	vor.u32 v0, v34;
	v21 =	vld.idx.msk [tilespmem:v21+s12+$0x0], $0xffff;
	[tilespmem:s19+$0x70] =	vst v20  }
0xf5: {  	v20 =	vld.idx.msk [tilespmem:v32+s12+$0x0], $0xffff;
	v32 =	vor.u32 v1, v22;
	[tilespmem:s18+$0xC0] =	vst v27  }
0xf6: {  	v27 =	vor.u32 v1, v13;
	[tilespmem:s18+$0xFFFFFFC0] =	vst v26;
	v26 =	vld.idx.msk [tilespmem:v33+s12+$0x0], $0xffff  }
0xf7: {  	v33 =	vor.u32 v1, v19;
	v28 =	vld.idx.msk [tilespmem:v28+s12+$0x0], $0xffff;
	[tilespmem:s18+$0x40] =	vst v29  }
0xf8: {  	v29 =	vor.u32 v6, v11;
	v24 =	vld.idx.msk [tilespmem:v24+s12+$0x0], $0xffff;
	[tilespmem:s19+$0xFFFFFF70] =	vst v30;
	s19 =	smov.u32 s18;
	s18 =	sadd.s32 $0x200, s18  }
0xf9: {  	v30 =	vld.idx.msk [tilespmem:v31+s12+$0x0], $0xffff;
	v31 =	vor.u32 v1, v14;
	[tilespmem:s18+$0x80] =	vst v23  }
0xfa: {  	[tilespmem:s18+$0xFFFFFF80] =	vst v25;
	v23 =	vld.idx.msk [tilespmem:v32+s12+$0x0], $0xffff;
	v25 =	vor.u32 v5, v17  }
0xfb: {  	v27 =	vld.idx.msk [tilespmem:v27+s12+$0x0], $0xffff;
	[tilespmem:s18+$0x0] =	vst v20;
	v20 =	vor.u32 v6, v8  }
0xfc: {  	v32 =	vld.idx.msk [tilespmem:v33+s12+$0x0], $0xffff;
	v33 =	vor.u32 v2, v22;
	[tilespmem:s19+$0xD0] =	vst v26  }
0xfd: {  	v26 =	vor.u32 v2, v13;
	[tilespmem:s18+$0xFFFFFF00] =	vst v18;
	v29 =	vld.idx.msk [tilespmem:v29+s12+$0x0], $0xffff  }
0xfe: {  	v35 =	vor.u32 v2, v19;
	v31 =	vld.idx.msk [tilespmem:v31+s12+$0x0], $0xffff;
	[tilespmem:s19+$0xFFFFFF40] =	vst v21  }
0xff: {  	v18 =	vmov v30;
	v21 =	vld.idx.msk [tilespmem:v25+s12+$0x0], $0xffff;
	[tilespmem:s19+$0xFFFFFFD0] =	vst v28;
	v25 =	vor.u32 v7, v11;
	v11 =	vmov v22  }
0x100: {  	v30 =	vor.u32 v2, v14;
	[tilespmem:s18+$0x90] =	vst v23;
	v22 =	vld.idx.msk [tilespmem:v20+s12+$0x0], $0xffff  }
0x101: {  	s21 =	sadd.s32 $0x1, s20;
	v23 =	vor.u32 v6, v9;
	[tilespmem:s18+$0xFFFFFF90] =	vst v27;
	v20 =	vld.idx.msk [tilespmem:v33+s12+$0x0], $0xffff  }
0x102: {  	v27 =	vmov s21;
	v36 =	vld.idx.msk [tilespmem:v26+s12+$0x0], $0xffff;
	[tilespmem:s18+$0x10] =	vst v32;
	v32 =	vor.u32 v6, v17  }
0x103: {  	v37 =	vor.u32 v3, v11;
	v26 =	vshll.u32 v27, $0x8;
	v27 =	vshll.u32 v27, $0x7;
	v35 =	vld.idx.msk [tilespmem:v35+s12+$0x0], $0xffff;
	[tilespmem:s19+$0xE0] =	vst v29  }
0x104: {  	v38 =	vor.u32 v3, v13;
	v26 =	vand.u32 $0x7800, v26;
	v27 =	vand.u32 $0x280, v27;
	[tilespmem:s18+$0xFFFFFF10] =	vst v31;
	v28 =	vld.idx.msk [tilespmem:v25+s12+$0x0], $0xffff  }
.Ltmp1:
0x105: {  	v33 =	vor.u32 v3, v19;
	v27 =	vor.u32 v27, v26;
	v26 =	vld.idx.msk [tilespmem:v30+s12+$0x0], $0xffff;
	[tilespmem:s19+$0x50] =	vst v24;
	(pc) =	sbr.rel @p0 .LBB2_4-.Ltmp1, $4  }
0x106: {  	v25 =	vor.u32 v0, v27;
	[tilespmem:s19+$0xFFFFFF50] =	vst v21;
	v24 =	vld.idx.msk [tilespmem:v23+s12+$0x0], $0xffff  }
0x107: {  	s21 =	sadd.s32 $0x2, s20;
	v29 =	vor.u32 v3, v14;
	v14 =	vmov v34;
	[tilespmem:s18+$0xA0] =	vst v20;
	v23 =	vld.idx.msk [tilespmem:v32+s12+$0x0], $0xffff  }
0x108: {  	v31 =	vor.u32 v7, v8;
	v8 =	vmovc v13;
	v30 =	vmov s21;
	v13 =	vmov v27;
	[tilespmem:s18+$0xFFFFFFA0] =	vst v36;
	v21 =	vld.idx.msk [tilespmem:v37+s12+$0x0], $0xffff  }
0x109: {  	s21 =	sadd.s32 $0x3, s20;
	s20 =	sadd.s32 $0x4, s20;
	v32 =	vshll.u32 v30, $0x8;
	v20 =	vor.u32 v7, v9;
	v9 =	vmov v19;
	v27 =	vld.idx.msk [tilespmem:v38+s12+$0x0], $0xffff;
	[tilespmem:s18+$0x20] =	vst v35  }
0x10a: {  	_ =	sdelay $0x1  }
0x10b: {  	v19 =	vmov s21;
	[tilespmem:s19+$0xF0] =	vst v28  }
0x10c: {  	v55 =	vor.u32 v4, v11;
	[tilespmem:s18+$0xFFFFFF20] =	vst v26;
	v34 =	vshll.u32 v19, $0x8;
	v19 =	vshll.u32 v19, $0x7  }
0x10d: {  	v28 =	vld.idx.msk [tilespmem:v33+s12+$0x0], $0xffff;
	v26 =	vor.u32 v4, v8;
	[tilespmem:s19+$0xFFFFFFE0] =	vst v22;
	v34 =	vand.u32 $0x7800, v34;
	v19 =	vand.u32 $0x380, v19  }
0x10e: {  	v30 =	vshll.u32 v30, $0x7;
	v22 =	vld.idx.msk [tilespmem:v29+s12+$0x0], $0xffff;
	v29 =	vor.u32 v4, v9;
	[tilespmem:s19+$0x60] =	vst v24;
	v19 =	vor.u32 v19, v34  }
0x10f: {  	v24 =	vld.idx.msk [tilespmem:v31+s12+$0x0], $0xffff;
	v31 =	vand.u32 $0x7800, v32;
	v30 =	vand.u32 $0x300, v30;
	[tilespmem:s19+$0xFFFFFF60] =	vst v23;
	v56 =	vor.u32 v0, v19  }
0x110: {  	[tilespmem:s18+$0xB0] =	vst v21;
	v21 =	vld.idx.msk [tilespmem:v20+s12+$0x0], $0xffff;
	v20 =	vor.u32 v30, v31  }
0x111: {  	[tilespmem:s18+$0xFFFFFFB0] =	vst v27;
	v30 =	vor.u32 v0, v20;
	v27 =	vld.idx.msk [tilespmem:v55+s12+$0x0], $0xffff  }
0x112: {  	[tilespmem:s18+$0x30] =	vst v28;
	v26 =	vld.idx.msk [tilespmem:v26+s12+$0x0], $0xffff  }
0x113: {  	v17 =	vor.u32 v7, v17;
	v23 =	vld.idx.msk [tilespmem:v29+s12+$0x0], $0xffff;
	[tilespmem:s18+$0xFFFFFF30] =	vst v22  }
0x114: {  	v22 =	vor.u32 v5, v11;
	[tilespmem:s19+$0xFFFFFFF0] =	vst v24;
	v28 =	vld.idx.msk [tilespmem:v56+s12+$0x0], $0xffff  }
0x115: {  	v24 =	vld.idx.msk [tilespmem:v25+s12+$0x0], $0xffff;
	[tilespmem:s19+$0x70] =	vst v21;
	v21 =	vor.u32 v1, v19  }
0x116: {  	v25 =	vld.idx.msk [tilespmem:v30+s12+$0x0], $0xffff;
	[tilespmem:s18+$0xC0] =	vst v27;
	v27 =	vor.u32 v1, v13  }
0x117: {  	[tilespmem:s18+$0xFFFFFFC0] =	vst v26;
	v26 =	vor.u32 v1, v20  }
0x118: {  	v10 =	vor.u32 v12, v10;
	s20 =	sadd.s32 $0x200, s18;
	v12 =	vld.idx.msk [tilespmem:v17+s12+$0x0], $0xffff;
	v17 =	vor.u32 v1, v14;
	[tilespmem:s18+$0x40] =	vst v23  }
0x119: {  	v23 =	vor.u32 v4, v10;
	v22 =	vld.idx.msk [tilespmem:v22+s12+$0x0], $0xffff;
	[tilespmem:s20+$0x80] =	vst v28  }
0x11a: {  	[tilespmem:s20+$0xFFFFFF80] =	vst v24;
	v28 =	vor.u32 v5, v8;
	v21 =	vld.idx.msk [tilespmem:v21+s12+$0x0], $0xffff  }
0x11b: {  	[tilespmem:s20+$0x0] =	vst v25;
	v25 =	vor.u32 v2, v19;
	v24 =	vld.idx.msk [tilespmem:v27+s12+$0x0], $0xffff  }
0x11c: {  	[tilespmem:s20+$0xFFFFFF00] =	vst v18;
	v18 =	vor.u32 v2, v13;
	v26 =	vld.idx.msk [tilespmem:v26+s12+$0x0], $0xffff  }
0x11d: {  	[tilespmem:s19+$0xFFFFFF70] =	vst v12;
	v12 =	vld.idx.msk [tilespmem:v17+s12+$0x0], $0xffff;
	v17 =	vor.u32 v2, v20  }
0x11e: {  	v23 =	vld.idx.msk [tilespmem:v23+s12+$0x0], $0xffff;
	[tilespmem:s18+$0xD0] =	vst v22;
	v22 =	vor.u32 v2, v14  }
0x11f: {  	v27 =	vld.idx.msk [tilespmem:v28+s12+$0x0], $0xffff;
	v28 =	vor.u32 v6, v11;
	[tilespmem:s20+$0x90] =	vst v21  }
0x120: {  	v21 =	vor.u32 v5, v9;
	[tilespmem:s20+$0xFFFFFF90] =	vst v24;
	v24 =	vld.idx.msk [tilespmem:v25+s12+$0x0], $0xffff  }
0x121: {  	[tilespmem:s20+$0x10] =	vst v26;
	v18 =	vld.idx.msk [tilespmem:v18+s12+$0x0], $0xffff;
	v25 =	vor.u32 v3, v19  }
0x122: {  	[tilespmem:s20+$0xFFFFFF10] =	vst v12;
	v12 =	vor.u32 v3, v13;
	v17 =	vld.idx.msk [tilespmem:v17+s12+$0x0], $0xffff  }
0x123: {  	[tilespmem:s18+$0xFFFFFF40] =	vst v23;
	v22 =	vld.idx.msk [tilespmem:v22+s12+$0x0], $0xffff;
	v23 =	vor.u32 v3, v20  }
0x124: {  	v14 =	vor.u32 v3, v14;
	v26 =	vld.idx.msk [tilespmem:v28+s12+$0x0], $0xffff;
	[tilespmem:s18+$0xFFFFFFD0] =	vst v27  }
0x125: {  	v27 =	vor.u32 v5, v10;
	v21 =	vld.idx.msk [tilespmem:v21+s12+$0x0], $0xffff;
	[tilespmem:s20+$0xA0] =	vst v24  }
0x126: {  	v11 =	vor.u32 v7, v11;
	[tilespmem:s20+$0xFFFFFFA0] =	vst v18;
	v18 =	vld.idx.msk [tilespmem:v25+s12+$0x0], $0xffff  }
0x127: {  	[tilespmem:s20+$0x20] =	vst v17;
	v17 =	vor.u32 v4, v19;
	v12 =	vld.idx.msk [tilespmem:v12+s12+$0x0], $0xffff  }
0x128: {  	[tilespmem:s20+$0xFFFFFF20] =	vst v22;
	v22 =	vor.u32 v4, v13;
	v23 =	vld.idx.msk [tilespmem:v23+s12+$0x0], $0xffff  }
0x129: {  	v15 =	vor.u32 v16, v15;
	v16 =	vor.u32 v4, v20;
	v14 =	vld.idx.msk [tilespmem:v14+s12+$0x0], $0xffff;
	[tilespmem:s18+$0xE0] =	vst v26  }
0x12a: {  	v24 =	vld.idx.msk [tilespmem:v27+s12+$0x0], $0xffff;
	[tilespmem:s18+$0x50] =	vst v21;
	v21 =	vor.u32 v4, v15  }
0x12b: {  	v25 =	vor.u32 v6, v8;
	v11 =	vld.idx.msk [tilespmem:v11+s12+$0x0], $0xffff;
	[tilespmem:s20+$0xB0] =	vst v18  }
0x12c: {  	v18 =	vor.u32 v6, v9;
	[tilespmem:s20+$0xFFFFFFB0] =	vst v12;
	v12 =	vld.idx.msk [tilespmem:v17+s12+$0x0], $0xffff  }
0x12d: {  	[tilespmem:s20+$0x30] =	vst v23;
	v17 =	vld.idx.msk [tilespmem:v22+s12+$0x0], $0xffff;
	v22 =	vor.u32 v5, v19  }
0x12e: {  	[tilespmem:s20+$0xFFFFFF30] =	vst v14;
	v14 =	vor.u32 v5, v13;
	v16 =	vld.idx.msk [tilespmem:v16+s12+$0x0], $0xffff  }
0x12f: {  	v23 =	vor.u32 v5, v20;
	[tilespmem:s18+$0xFFFFFF50] =	vst v24;
	v21 =	vld.idx.msk [tilespmem:v21+s12+$0x0], $0xffff  }
0x130: {  	v24 =	vld.idx.msk [tilespmem:v25+s12+$0x0], $0xffff;
	[tilespmem:s18+$0xF0] =	vst v11;
	v11 =	vor.u32 v5, v15  }
0x131: {  	v25 =	vor.u32 v6, v10;
	v18 =	vld.idx.msk [tilespmem:v18+s12+$0x0], $0xffff;
	[tilespmem:s20+$0xC0] =	vst v12  }
0x132: {  	v8 =	vor.u32 v7, v8;
	[tilespmem:s20+$0xFFFFFFC0] =	vst v17;
	v12 =	vld.idx.msk [tilespmem:v22+s12+$0x0], $0xffff  }
0x133: {  	[tilespmem:s20+$0x40] =	vst v16;
	v16 =	vor.u32 v6, v19;
	v14 =	vld.idx.msk [tilespmem:v14+s12+$0x0], $0xffff  }
0x134: {  	v17 =	vld.idx.msk [tilespmem:v23+s12+$0x0], $0xffff;
	v22 =	vor.u32 v6, v13;
	[tilespmem:s20+$0xFFFFFF40] =	vst v21  }
0x135: {  	[tilespmem:s18+$0xFFFFFFE0] =	vst v24;
	v21 =	vor.u32 v6, v20;
	v11 =	vld.idx.msk [tilespmem:v11+s12+$0x0], $0xffff  }
0x136: {  	v23 =	vld.idx.msk [tilespmem:v25+s12+$0x0], $0xffff;
	[tilespmem:s18+$0x60] =	vst v18;
	v18 =	vor.u32 v6, v15  }
0x137: {  	v9 =	vor.u32 v7, v9;
	v8 =	vld.idx.msk [tilespmem:v8+s12+$0x0], $0xffff;
	[tilespmem:s20+$0xD0] =	vst v12  }
0x138: {  	v10 =	vor.u32 v7, v10;
	[tilespmem:s20+$0xFFFFFFD0] =	vst v14;
	v12 =	vld.idx.msk [tilespmem:v16+s12+$0x0], $0xffff  }
0x139: {  	v14 =	vor.u32 v7, v19;
	[tilespmem:s20+$0x50] =	vst v17;
	v16 =	vld.idx.msk [tilespmem:v22+s12+$0x0], $0xffff  }
0x13a: {  	v13 =	vor.u32 v7, v13;
	[tilespmem:s20+$0xFFFFFF50] =	vst v11;
	v11 =	vld.idx.msk [tilespmem:v21+s12+$0x0], $0xffff  }
0x13b: {  	[tilespmem:s18+$0xFFFFFF60] =	vst v23;
	v17 =	vld.idx.msk [tilespmem:v18+s12+$0x0], $0xffff;
	v18 =	vor.u32 v7, v20  }
0x13c: {  	v9 =	vld.idx.msk [tilespmem:v9+s12+$0x0], $0xffff;
	[tilespmem:s18+$0xFFFFFFF0] =	vst v8;
	v8 =	vor.u32 v7, v15  }
0x13d: {  	v10 =	vld.idx.msk [tilespmem:v10+s12+$0x0], $0xffff;
	[tilespmem:s20+$0xE0] =	vst v12  }
0x13e: {  	[tilespmem:s20+$0xFFFFFFE0] =	vst v16;
	v12 =	vld.idx.msk [tilespmem:v14+s12+$0x0], $0xffff  }
0x13f: {  	v13 =	vld.idx.msk [tilespmem:v13+s12+$0x0], $0xffff;
	[tilespmem:s20+$0x60] =	vst v11  }
0x140: {  	v11 =	vld.idx.msk [tilespmem:v18+s12+$0x0], $0xffff;
	[tilespmem:s20+$0xFFFFFF60] =	vst v17  }
0x141: {  	[tilespmem:s18+$0x70] =	vst v9;
	v8 =	vld.idx.msk [tilespmem:v8+s12+$0x0], $0xffff  }
0x142: {  	[tilespmem:s18+$0xFFFFFF70] =	vst v10  }
0x143: {  	[tilespmem:s20+$0xF0] =	vst v12  }
0x144: {  	s31 =	simm.s32 $0x0;
	s21 =	simm.s32 $0x1;
	[tilespmem:s20+$0xFFFFFFF0] =	vst v13  }
0x145: {  	s22 =	simm.s32 $0x3;
	v9 =	vmov s31;
	v10 =	vmov s21;
	[tilespmem:s20+$0x70] =	vst v11  }
0x146: {  	v12 =	vmov s22;
	[tilespmem:s20+$0xFFFFFF70] =	vst v8;
	v8 =	vshll.u32 v10, $0x8;
	v10 =	vshll.u32 v10, $0x7  }
0x147: {  	v11 =	vshll.u32 v9, $0x8;
	[hbm4b:s7+s31] =	stream.linear.scatter [tilespmem:s15], [sflag:$0x2], $0x4000, $0x38;
	v8 =	vand.u32 $0x7800, v8;
	v10 =	vand.u32 $0x280, v10;
	[tilespmem:$0x18000] =	vst v63  }
0x148: {  	s23 =	simm.s32 $0x2;
	v19 =	vor.u32 v10, v8;
	v8 =	vshll.u32 v12, $0x8;
	v10 =	vshll.u32 v12, $0x7  }
0x149: {  	v12 =	vmov s23;
	[tilespmem:s12], [sflag:$0x1] =	stream.linear.gather [hbm4b:s8+s31], $0x8000, $0x38;
	v8 =	vand.u32 $0x7800, v8;
	v10 =	vand.u32 $0x380, v10;
	[tilespmem:$0x18000] =	vst v63  }
0x14a: {  	v14 =	vshll.u32 v12, $0x8;
	v12 =	vshll.u32 v12, $0x7;
	_ =	swait.ge [sflag:s13], $0x8000;
	v13 =	vor.u32 v10, v8  }
0x14b: {  	v8 =	vand.u32 $0x7800, v14;
	v10 =	vand.u32 $0x300, v12;
	[sflag:s13] =	ssyncset.done $0x0;
	v12 =	vor.u32 v0, v13  }
0x14c: {  	v9 =	vshll.u32 v9, $0x7;
	v14 =	vor.u32 v0, v19;
	v20 =	vor.u32 v10, v8;
	[sflag:s13] =	ssyncadd.s32 $0xFFFF8000  }
0x14d: {  	v9 =	vand.u32 $0x200, v9;
	v8 =	vand.u32 $0x7800, v11;
	v10 =	vor.u32 v0, v20;
	_ =	swait.ge [sflag:s16], $0x4000  }
0x14e: {  	v15 =	vor.u32 v9, v8;
	[sflag:s16] =	ssyncset.done $0x0  }
0x14f: {  	v8 =	vor.u32 v0, v15;
	[sflag:s16] =	ssyncadd.s32 $0xFFFFC000  }
0x150: {  	v12 =	vld.idx.msk [tilespmem:v12+s2+$0x0], $0xffff  }
0x151: {  	v16 =	vor.u32 v1, v13;
	v14 =	vld.idx.msk [tilespmem:v14+s2+$0x0], $0xffff  }
0x152: {  	v17 =	vor.u32 v1, v19;
	v10 =	vld.idx.msk [tilespmem:v10+s2+$0x0], $0xffff  }
0x153: {  	v18 =	vor.u32 v1, v20  }
0x154: {  	s19 =	simm.s32 $0x10100;
	v8 =	vld.idx.msk [tilespmem:v8+s2+$0x0], $0xffff  }
0x155: {  	v21 =	vor.u32 v1, v15;
	[tilespmem:s19+$0x80] =	vst v12  }
0x156: {  	[tilespmem:s19+$0xFFFFFF80] =	vst v14;
	v12 =	vld.idx.msk [tilespmem:v16+s2+$0x0], $0xffff  }
0x157: {  	v14 =	vld.idx.msk [tilespmem:v17+s2+$0x0], $0xffff;
	[tilespmem:s19+$0x0] =	vst v10;
	v16 =	vor.u32 v2, v13  }
0x158: {  	v17 =	vld.idx.msk [tilespmem:v18+s2+$0x0], $0xffff;
	v18 =	vor.u32 v2, v19  }
0x159: {  	s24 =	simm.s32 $0x4;
	[tilespmem:s19+$0xFFFFFF00] =	vst v8;
	v8 =	vor.u32 v2, v20  }
0x15a: {  	v22 =	vmov s24;
	v23 =	vld.idx.msk [tilespmem:v21+s2+$0x0], $0xffff  }
0x15b: {  	v10 =	vshll.u32 v22, $0x8;
	v21 =	vshll.u32 v22, $0x7;
	v22 =	vor.u32 v2, v15;
	[tilespmem:s19+$0x90] =	vst v12  }
0x15c: {  	s25 =	simm.s32 $0x5;
	v26 =	vor.u32 v3, v19;
	v24 =	vand.u32 $0x7800, v10;
	[tilespmem:s19+$0xFFFFFF90] =	vst v14;
	v14 =	vld.idx.msk [tilespmem:v16+s2+$0x0], $0xffff  }
0x15d: {  	v12 =	vand.u32 $0x200, v21;
	v16 =	vmov s25;
	v18 =	vld.idx.msk [tilespmem:v18+s2+$0x0], $0xffff;
	[tilespmem:s19+$0x10] =	vst v17;
	v17 =	vor.u32 v3, v13  }
0x15e: {  	v21 =	vor.u32 v12, v24;
	v24 =	vshll.u32 v16, $0x8;
	v16 =	vshll.u32 v16, $0x7;
	v25 =	vld.idx.msk [tilespmem:v8+s2+$0x0], $0xffff  }
0x15f: {  	[tilespmem:s19+$0xFFFFFF10] =	vst v23;
	v23 =	vor.u32 v3, v20;
	v8 =	vand.u32 $0x7800, v24;
	v16 =	vand.u32 $0x280, v16  }
0x160: {  	v8 =	vor.u32 v16, v8;
	v16 =	vld.idx.msk [tilespmem:v22+s2+$0x0], $0xffff  }
0x161: {  	s28 =	simm.s32 $0x7;
	v24 =	vor.u32 v0, v21;
	[tilespmem:s19+$0xA0] =	vst v14  }
0x162: {  	s26 =	simm.s32 $0x6;
	v28 =	vmov s28;
	v15 =	vor.u32 v3, v15;
	v22 =	vor.u32 v0, v8;
	[tilespmem:s19+$0xFFFFFFA0] =	vst v18;
	v18 =	vld.idx.msk [tilespmem:v17+s2+$0x0], $0xffff  }
0x163: {  	v14 =	vmov s26;
	v17 =	vor.u32 v9, v11;
	v26 =	vld.idx.msk [tilespmem:v26+s2+$0x0], $0xffff;
	[tilespmem:s19+$0x20] =	vst v25;
	v25 =	vor.u32 v4, v13  }
0x164: {  	v9 =	vshll.u32 v28, $0x8;
	v11 =	vshll.u32 v28, $0x7;
	v28 =	vor.u32 v4, v19;
	v23 =	vld.idx.msk [tilespmem:v23+s2+$0x0], $0xffff  }
0x165: {  	v9 =	vand.u32 $0x7800, v9;
	v11 =	vand.u32 $0x380, v11;
	[tilespmem:s19+$0xFFFFFF20] =	vst v16;
	v16 =	vor.u32 v4, v20  }
0x166: {  	v27 =	vshll.u32 v14, $0x8;
	v14 =	vshll.u32 v14, $0x7;
	v24 =	vld.idx.msk [tilespmem:v24+s2+$0x0], $0xffff;
	v11 =	vor.u32 v11, v9  }
0x167: {  	s29 =	simm.s32 $0x8;
	v14 =	vand.u32 $0x300, v14;
	v9 =	vand.u32 $0x7800, v27;
	v29 =	vld.idx.msk [tilespmem:v15+s2+$0x0], $0xffff;
	v27 =	vor.u32 v0, v11;
	[tilespmem:s19+$0xB0] =	vst v18  }
0x168: {  	v9 =	vor.u32 v14, v9;
	v14 =	vmov s29;
	v18 =	vor.u32 v4, v17;
	[tilespmem:s19+$0xFFFFFFB0] =	vst v26;
	v25 =	vld.idx.msk [tilespmem:v25+s2+$0x0], $0xffff  }
0x169: {  	v15 =	vshll.u32 v14, $0x8;
	v14 =	vshll.u32 v14, $0x7;
	v26 =	vor.u32 v0, v9;
	v28 =	vld.idx.msk [tilespmem:v28+s2+$0x0], $0xffff;
	[tilespmem:s19+$0x30] =	vst v23  }
0x16a: {  	v31 =	vand.u32 $0x7800, v15;
	v23 =	vor.u32 v5, v13;
	v30 =	vld.idx.msk [tilespmem:v16+s2+$0x0], $0xffff;
	v16 =	vand.u32 $0x200, v14  }
0x16b: {  	v57 =	vor.u32 v5, v19;
	v22 =	vld.idx.msk [tilespmem:v22+s2+$0x0], $0xffff;
	v14 =	vor.u32 v16, v31  }
0x16c: {  	[tilespmem:s19+$0xFFFFFF30] =	vst v29;
	v27 =	vld.idx.msk [tilespmem:v27+s2+$0x0], $0xffff;
	v31 =	vor.u32 v0, v14  }
0x16d: {  	v59 =	vor.u32 v1, v11;
	v58 =	vld.idx.msk [tilespmem:v18+s2+$0x0], $0xffff  }
0x16e: {  	v26 =	vld.idx.msk [tilespmem:v26+s2+$0x0], $0xffff;
	[tilespmem:s19+$0xC0] =	vst v25;
	v25 =	vor.u32 v1, v8  }
0x16f: {  	[tilespmem:s19+$0xFFFFFFC0] =	vst v28;
	v28 =	vor.u32 v1, v9;
	v23 =	vld.idx.msk [tilespmem:v23+s2+$0x0], $0xffff  }
0x170: {  	s18 =	simm.s32 $0x10300;
	v32 =	vld.idx.msk [tilespmem:v57+s2+$0x0], $0xffff;
	[tilespmem:s19+$0x40] =	vst v30;
	v30 =	vor.u32 v6, v13  }
0x171: {  	[tilespmem:s18+$0x80] =	vst v27;
	v18 =	vld.idx.msk [tilespmem:v31+s2+$0x0], $0xffff;
	v31 =	vor.u32 v1, v21  }
0x172: {  	v29 =	vor.u32 v5, v20;
	[tilespmem:s18+$0xFFFFFF80] =	vst v22;
	v22 =	vld.idx.msk [tilespmem:v59+s2+$0x0], $0xffff  }
0x173: {  	v27 =	vor.u32 v5, v17;
	[tilespmem:s18+$0x0] =	vst v26;
	v25 =	vld.idx.msk [tilespmem:v25+s2+$0x0], $0xffff  }
0x174: {  	v60 =	vor.u32 v2, v11;
	v28 =	vld.idx.msk [tilespmem:v28+s2+$0x0], $0xffff;
	[tilespmem:s19+$0xD0] =	vst v23  }
0x175: {  	[tilespmem:s18+$0xFFFFFF00] =	vst v24;
	v23 =	vor.u32 v2, v8;
	v24 =	vld.idx.msk [tilespmem:v30+s2+$0x0], $0xffff  }
0x176: {  	[tilespmem:s19+$0xFFFFFF40] =	vst v58;
	v30 =	vld.idx.msk [tilespmem:v31+s2+$0x0], $0xffff;
	v31 =	vor.u32 v2, v9  }
0x177: {  	v13 =	vor.u32 v7, v13;
	v29 =	vld.idx.msk [tilespmem:v29+s2+$0x0], $0xffff;
	[tilespmem:s19+$0xFFFFFFD0] =	vst v32  }
0x178: {  	v26 =	vor.u32 v6, v19;
	v27 =	vld.idx.msk [tilespmem:v27+s2+$0x0], $0xffff;
	[tilespmem:s18+$0x90] =	vst v22  }
0x179: {  	v61 =	vor.u32 v2, v21;
	[tilespmem:s18+$0xFFFFFF90] =	vst v25;
	v25 =	vld.idx.msk [tilespmem:v60+s2+$0x0], $0xffff  }
0x17a: {  	s30 =	simm.s32 $0x9;
	v62 =	vor.u32 v6, v20;
	[tilespmem:s18+$0x10] =	vst v28;
	v63 =	vld.idx.msk [tilespmem:v23+s2+$0x0], $0xffff  }
0x17b: {  	v23 =	vor.u32 v6, v17;
	[tilespmem:s19+$0xE0] =	vst v24;
	v24 =	vmov s30;
	v35 =	vld.idx.msk [tilespmem:v31+s2+$0x0], $0xffff  }
0x17c: {  	[tilespmem:s19+$0x50] =	vst v29;
	v31 =	vor.u32 v3, v11;
	v28 =	vld.idx.msk [tilespmem:v13+s2+$0x0], $0xffff;
	v13 =	vshll.u32 v24, $0x8;
	v24 =	vshll.u32 v24, $0x7  }
0x17d: {  	v36 =	vor.u32 v3, v8;
	v22 =	vld.idx.msk [tilespmem:v26+s2+$0x0], $0xffff;
	[tilespmem:s18+$0xFFFFFF10] =	vst v30;
	v13 =	vand.u32 $0x7800, v13;
	v29 =	vand.u32 $0x280, v24  }
0x17e: {  	v33 =	vor.u32 v3, v9;
	[tilespmem:s19+$0xFFFFFF50] =	vst v27;
	v26 =	vld.idx.msk [tilespmem:v61+s2+$0x0], $0xffff;
	v13 =	vor.u32 v29, v13  }
0x17f: {  	v24 =	vld.idx.msk [tilespmem:v62+s2+$0x0], $0xffff;
	[tilespmem:s18+$0xA0] =	vst v25;
	v25 =	vor.u32 v0, v13  }
0x180: {  	s31 =	simm.s32 $0xA;
	v29 =	vor.u32 v3, v21;
	v23 =	vld.idx.msk [tilespmem:v23+s2+$0x0], $0xffff  }
0x181: {  	v30 =	vmov s31;
	[tilespmem:s18+$0xFFFFFFA0] =	vst v63;
	v21 =	vld.idx.msk [tilespmem:v31+s2+$0x0], $0xffff;
	v31 =	vor.u32 v7, v19  }
0x182: {  	s21 =	simm.s32 $0xB;
	s20 =	simm.s32 $0xC;
	v20 =	vor.u32 v7, v20;
	v32 =	vshll.u32 v30, $0x8;
	v27 =	vld.idx.msk [tilespmem:v36+s2+$0x0], $0xffff;
	[tilespmem:s18+$0x20] =	vst v35  }
.LBB2_6:
0x183: {  	p0 =	slt.u32 s20, $0x7C;
	v19 =	vmov s21;
	v34 =	vor.u32 v12, v10;
	v33 =	vld.idx.msk [tilespmem:v33+s2+$0x0], $0xffff;
	v35 =	vor.u32 v4, v11;
	[tilespmem:s19+$0xF0] =	vst v28;
	v10 =	vmovc v15  }
0x184: {  	v12 =	vmovc v16;
	v25 =	vld.idx.msk [tilespmem:v25+s2+$0x0], $0xffff;
	v15 =	vshll.u32 v19, $0x8;
	v19 =	vshll.u32 v19, $0x7;
	[tilespmem:s18+$0xFFFFFF20] =	vst v26;
	v26 =	vor.u32 v4, v8  }
0x185: {  	v15 =	vand.u32 $0x7800, v15;
	v16 =	vand.u32 $0x380, v19;
	v28 =	vld.idx.msk [tilespmem:v29+s2+$0x0], $0xffff;
	v29 =	vor.u32 v4, v9;
	[tilespmem:s19+$0xFFFFFFE0] =	vst v22  }
0x186: {  	v19 =	vshll.u32 v30, $0x7;
	v30 =	vor.u32 v7, v17;
	v22 =	vor.u32 v16, v15;
	v31 =	vld.idx.msk [tilespmem:v31+s2+$0x0], $0xffff;
	[tilespmem:s19+$0x60] =	vst v24  }
0x187: {  	v17 =	vmovc v34;
	v15 =	vand.u32 $0x7800, v32;
	v16 =	vand.u32 $0x300, v19;
	v24 =	vor.u32 v0, v22;
	[tilespmem:s18+$0xB0] =	vst v21;
	v20 =	vld.idx.msk [tilespmem:v20+s2+$0x0], $0xffff  }
0x188: {  	v19 =	vor.u32 v16, v15;
	v21 =	vor.u32 v4, v17;
	[tilespmem:s18+$0xFFFFFFB0] =	vst v27;
	v27 =	vld.idx.msk [tilespmem:v35+s2+$0x0], $0xffff  }
0x189: {  	v16 =	vmov s20;
	v32 =	vor.u32 v0, v19;
	v26 =	vld.idx.msk [tilespmem:v26+s2+$0x0], $0xffff;
	[tilespmem:s18+$0x30] =	vst v33  }
0x18a: {  	v15 =	vshll.u32 v16, $0x8;
	v16 =	vshll.u32 v16, $0x7;
	v33 =	vor.u32 v5, v11;
	v29 =	vld.idx.msk [tilespmem:v29+s2+$0x0], $0xffff;
	[tilespmem:s19+$0xFFFFFF60] =	vst v23  }
0x18b: {  	v16 =	vand.u32 $0x200, v16;
	v23 =	vand.u32 $0x7800, v15;
	[tilespmem:s18+$0xFFFFFF30] =	vst v28;
	v28 =	vor.u32 v5, v8;
	v30 =	vld.idx.msk [tilespmem:v30+s2+$0x0], $0xffff  }
0x18c: {  	v34 =	vor.u32 v16, v23;
	v23 =	vld.idx.msk [tilespmem:v24+s2+$0x0], $0xffff;
	v24 =	vor.u32 v5, v9;
	[tilespmem:s19+$0xFFFFFFF0] =	vst v31  }
0x18d: {  	v31 =	vor.u32 v0, v34;
	v21 =	vld.idx.msk [tilespmem:v21+s2+$0x0], $0xffff;
	[tilespmem:s19+$0x70] =	vst v20  }
0x18e: {  	v20 =	vld.idx.msk [tilespmem:v32+s2+$0x0], $0xffff;
	v32 =	vor.u32 v1, v22;
	[tilespmem:s18+$0xC0] =	vst v27  }
0x18f: {  	v27 =	vor.u32 v1, v13;
	[tilespmem:s18+$0xFFFFFFC0] =	vst v26;
	v26 =	vld.idx.msk [tilespmem:v33+s2+$0x0], $0xffff  }
0x190: {  	v33 =	vor.u32 v1, v19;
	v28 =	vld.idx.msk [tilespmem:v28+s2+$0x0], $0xffff;
	[tilespmem:s18+$0x40] =	vst v29  }
0x191: {  	v29 =	vor.u32 v6, v11;
	v24 =	vld.idx.msk [tilespmem:v24+s2+$0x0], $0xffff;
	[tilespmem:s19+$0xFFFFFF70] =	vst v30;
	s19 =	smov.u32 s18;
	s18 =	sadd.s32 $0x200, s18  }
0x192: {  	v30 =	vld.idx.msk [tilespmem:v31+s2+$0x0], $0xffff;
	v31 =	vor.u32 v1, v14;
	[tilespmem:s18+$0x80] =	vst v23  }
0x193: {  	[tilespmem:s18+$0xFFFFFF80] =	vst v25;
	v23 =	vld.idx.msk [tilespmem:v32+s2+$0x0], $0xffff;
	v25 =	vor.u32 v5, v17  }
0x194: {  	v27 =	vld.idx.msk [tilespmem:v27+s2+$0x0], $0xffff;
	[tilespmem:s18+$0x0] =	vst v20;
	v20 =	vor.u32 v6, v8  }
0x195: {  	v32 =	vld.idx.msk [tilespmem:v33+s2+$0x0], $0xffff;
	v33 =	vor.u32 v2, v22;
	[tilespmem:s19+$0xD0] =	vst v26  }
0x196: {  	v26 =	vor.u32 v2, v13;
	[tilespmem:s18+$0xFFFFFF00] =	vst v18;
	v29 =	vld.idx.msk [tilespmem:v29+s2+$0x0], $0xffff  }
0x197: {  	v35 =	vor.u32 v2, v19;
	v31 =	vld.idx.msk [tilespmem:v31+s2+$0x0], $0xffff;
	[tilespmem:s19+$0xFFFFFF40] =	vst v21  }
0x198: {  	v18 =	vmov v30;
	v21 =	vld.idx.msk [tilespmem:v25+s2+$0x0], $0xffff;
	[tilespmem:s19+$0xFFFFFFD0] =	vst v28;
	v25 =	vor.u32 v7, v11;
	v11 =	vmov v22  }
0x199: {  	v30 =	vor.u32 v2, v14;
	[tilespmem:s18+$0x90] =	vst v23;
	v22 =	vld.idx.msk [tilespmem:v20+s2+$0x0], $0xffff  }
0x19a: {  	s21 =	sadd.s32 $0x1, s20;
	v23 =	vor.u32 v6, v9;
	[tilespmem:s18+$0xFFFFFF90] =	vst v27;
	v20 =	vld.idx.msk [tilespmem:v33+s2+$0x0], $0xffff  }
0x19b: {  	v27 =	vmov s21;
	v36 =	vld.idx.msk [tilespmem:v26+s2+$0x0], $0xffff;
	[tilespmem:s18+$0x10] =	vst v32;
	v32 =	vor.u32 v6, v17  }
0x19c: {  	v37 =	vor.u32 v3, v11;
	v26 =	vshll.u32 v27, $0x8;
	v27 =	vshll.u32 v27, $0x7;
	v35 =	vld.idx.msk [tilespmem:v35+s2+$0x0], $0xffff;
	[tilespmem:s19+$0xE0] =	vst v29  }
0x19d: {  	v38 =	vor.u32 v3, v13;
	v26 =	vand.u32 $0x7800, v26;
	v27 =	vand.u32 $0x280, v27;
	[tilespmem:s18+$0xFFFFFF10] =	vst v31;
	v28 =	vld.idx.msk [tilespmem:v25+s2+$0x0], $0xffff  }
.Ltmp2:
0x19e: {  	v33 =	vor.u32 v3, v19;
	v27 =	vor.u32 v27, v26;
	v26 =	vld.idx.msk [tilespmem:v30+s2+$0x0], $0xffff;
	[tilespmem:s19+$0x50] =	vst v24;
	(pc) =	sbr.rel @p0 .LBB2_6-.Ltmp2, $4  }
0x19f: {  	v25 =	vor.u32 v0, v27;
	[tilespmem:s19+$0xFFFFFF50] =	vst v21;
	v24 =	vld.idx.msk [tilespmem:v23+s2+$0x0], $0xffff  }
0x1a0: {  	s21 =	sadd.s32 $0x2, s20;
	v29 =	vor.u32 v3, v14;
	v14 =	vmov v34;
	[tilespmem:s18+$0xA0] =	vst v20;
	v23 =	vld.idx.msk [tilespmem:v32+s2+$0x0], $0xffff  }
0x1a1: {  	v31 =	vor.u32 v7, v8;
	v8 =	vmovc v13;
	v30 =	vmov s21;
	v13 =	vmov v27;
	[tilespmem:s18+$0xFFFFFFA0] =	vst v36;
	v21 =	vld.idx.msk [tilespmem:v37+s2+$0x0], $0xffff  }
0x1a2: {  	s21 =	sadd.s32 $0x3, s20;
	s20 =	sadd.s32 $0x4, s20;
	v32 =	vshll.u32 v30, $0x8;
	v20 =	vor.u32 v7, v9;
	v9 =	vmov v19;
	v27 =	vld.idx.msk [tilespmem:v38+s2+$0x0], $0xffff;
	[tilespmem:s18+$0x20] =	vst v35  }
0x1a3: {  	_ =	sdelay $0x1  }
0x1a4: {  	v19 =	vmov s21;
	[tilespmem:s19+$0xF0] =	vst v28  }
0x1a5: {  	v55 =	vor.u32 v4, v11;
	[tilespmem:s18+$0xFFFFFF20] =	vst v26;
	v34 =	vshll.u32 v19, $0x8;
	v19 =	vshll.u32 v19, $0x7  }
0x1a6: {  	v28 =	vld.idx.msk [tilespmem:v33+s2+$0x0], $0xffff;
	v26 =	vor.u32 v4, v8;
	[tilespmem:s19+$0xFFFFFFE0] =	vst v22;
	v34 =	vand.u32 $0x7800, v34;
	v19 =	vand.u32 $0x380, v19  }
0x1a7: {  	v30 =	vshll.u32 v30, $0x7;
	v22 =	vld.idx.msk [tilespmem:v29+s2+$0x0], $0xffff;
	v29 =	vor.u32 v4, v9;
	[tilespmem:s19+$0x60] =	vst v24;
	v19 =	vor.u32 v19, v34  }
0x1a8: {  	v24 =	vld.idx.msk [tilespmem:v31+s2+$0x0], $0xffff;
	v31 =	vand.u32 $0x7800, v32;
	v30 =	vand.u32 $0x300, v30;
	[tilespmem:s19+$0xFFFFFF60] =	vst v23;
	v56 =	vor.u32 v0, v19  }
0x1a9: {  	[tilespmem:s18+$0xB0] =	vst v21;
	v21 =	vld.idx.msk [tilespmem:v20+s2+$0x0], $0xffff;
	v20 =	vor.u32 v30, v31  }
0x1aa: {  	[tilespmem:s18+$0xFFFFFFB0] =	vst v27;
	v30 =	vor.u32 v0, v20;
	v27 =	vld.idx.msk [tilespmem:v55+s2+$0x0], $0xffff  }
0x1ab: {  	[tilespmem:s18+$0x30] =	vst v28;
	v26 =	vld.idx.msk [tilespmem:v26+s2+$0x0], $0xffff  }
0x1ac: {  	v17 =	vor.u32 v7, v17;
	v23 =	vld.idx.msk [tilespmem:v29+s2+$0x0], $0xffff;
	[tilespmem:s18+$0xFFFFFF30] =	vst v22  }
0x1ad: {  	v22 =	vor.u32 v5, v11;
	[tilespmem:s19+$0xFFFFFFF0] =	vst v24;
	v28 =	vld.idx.msk [tilespmem:v56+s2+$0x0], $0xffff  }
0x1ae: {  	v24 =	vld.idx.msk [tilespmem:v25+s2+$0x0], $0xffff;
	[tilespmem:s19+$0x70] =	vst v21;
	v21 =	vor.u32 v1, v19  }
0x1af: {  	v25 =	vld.idx.msk [tilespmem:v30+s2+$0x0], $0xffff;
	[tilespmem:s18+$0xC0] =	vst v27;
	v27 =	vor.u32 v1, v13  }
0x1b0: {  	[tilespmem:s18+$0xFFFFFFC0] =	vst v26;
	v26 =	vor.u32 v1, v20  }
0x1b1: {  	v10 =	vor.u32 v12, v10;
	s20 =	sadd.s32 $0x200, s18;
	v12 =	vld.idx.msk [tilespmem:v17+s2+$0x0], $0xffff;
	v17 =	vor.u32 v1, v14;
	[tilespmem:s18+$0x40] =	vst v23  }
0x1b2: {  	v23 =	vor.u32 v4, v10;
	v22 =	vld.idx.msk [tilespmem:v22+s2+$0x0], $0xffff;
	[tilespmem:s20+$0x80] =	vst v28  }
0x1b3: {  	[tilespmem:s20+$0xFFFFFF80] =	vst v24;
	v28 =	vor.u32 v5, v8;
	v21 =	vld.idx.msk [tilespmem:v21+s2+$0x0], $0xffff  }
0x1b4: {  	[tilespmem:s20+$0x0] =	vst v25;
	v25 =	vor.u32 v2, v19;
	v24 =	vld.idx.msk [tilespmem:v27+s2+$0x0], $0xffff  }
0x1b5: {  	[tilespmem:s20+$0xFFFFFF00] =	vst v18;
	v18 =	vor.u32 v2, v13;
	v26 =	vld.idx.msk [tilespmem:v26+s2+$0x0], $0xffff  }
0x1b6: {  	[tilespmem:s19+$0xFFFFFF70] =	vst v12;
	v12 =	vld.idx.msk [tilespmem:v17+s2+$0x0], $0xffff;
	v17 =	vor.u32 v2, v20  }
0x1b7: {  	v23 =	vld.idx.msk [tilespmem:v23+s2+$0x0], $0xffff;
	[tilespmem:s18+$0xD0] =	vst v22;
	v22 =	vor.u32 v2, v14  }
0x1b8: {  	v27 =	vld.idx.msk [tilespmem:v28+s2+$0x0], $0xffff;
	v28 =	vor.u32 v6, v11;
	[tilespmem:s20+$0x90] =	vst v21  }
0x1b9: {  	v21 =	vor.u32 v5, v9;
	[tilespmem:s20+$0xFFFFFF90] =	vst v24;
	v24 =	vld.idx.msk [tilespmem:v25+s2+$0x0], $0xffff  }
0x1ba: {  	[tilespmem:s20+$0x10] =	vst v26;
	v18 =	vld.idx.msk [tilespmem:v18+s2+$0x0], $0xffff;
	v25 =	vor.u32 v3, v19  }
0x1bb: {  	[tilespmem:s20+$0xFFFFFF10] =	vst v12;
	v12 =	vor.u32 v3, v13;
	v17 =	vld.idx.msk [tilespmem:v17+s2+$0x0], $0xffff  }
0x1bc: {  	[tilespmem:s18+$0xFFFFFF40] =	vst v23;
	v22 =	vld.idx.msk [tilespmem:v22+s2+$0x0], $0xffff;
	v23 =	vor.u32 v3, v20  }
0x1bd: {  	v14 =	vor.u32 v3, v14;
	v26 =	vld.idx.msk [tilespmem:v28+s2+$0x0], $0xffff;
	[tilespmem:s18+$0xFFFFFFD0] =	vst v27  }
0x1be: {  	v27 =	vor.u32 v5, v10;
	v21 =	vld.idx.msk [tilespmem:v21+s2+$0x0], $0xffff;
	[tilespmem:s20+$0xA0] =	vst v24  }
0x1bf: {  	v11 =	vor.u32 v7, v11;
	[tilespmem:s20+$0xFFFFFFA0] =	vst v18;
	v18 =	vld.idx.msk [tilespmem:v25+s2+$0x0], $0xffff  }
0x1c0: {  	[tilespmem:s20+$0x20] =	vst v17;
	v17 =	vor.u32 v4, v19;
	v12 =	vld.idx.msk [tilespmem:v12+s2+$0x0], $0xffff  }
0x1c1: {  	[tilespmem:s20+$0xFFFFFF20] =	vst v22;
	v22 =	vor.u32 v4, v13;
	v23 =	vld.idx.msk [tilespmem:v23+s2+$0x0], $0xffff  }
0x1c2: {  	v15 =	vor.u32 v16, v15;
	v16 =	vor.u32 v4, v20;
	v14 =	vld.idx.msk [tilespmem:v14+s2+$0x0], $0xffff;
	[tilespmem:s18+$0xE0] =	vst v26  }
0x1c3: {  	v24 =	vld.idx.msk [tilespmem:v27+s2+$0x0], $0xffff;
	[tilespmem:s18+$0x50] =	vst v21;
	v21 =	vor.u32 v4, v15  }
0x1c4: {  	v25 =	vor.u32 v6, v8;
	v11 =	vld.idx.msk [tilespmem:v11+s2+$0x0], $0xffff;
	[tilespmem:s20+$0xB0] =	vst v18  }
0x1c5: {  	v18 =	vor.u32 v6, v9;
	[tilespmem:s20+$0xFFFFFFB0] =	vst v12;
	v12 =	vld.idx.msk [tilespmem:v17+s2+$0x0], $0xffff  }
0x1c6: {  	[tilespmem:s20+$0x30] =	vst v23;
	v17 =	vld.idx.msk [tilespmem:v22+s2+$0x0], $0xffff;
	v22 =	vor.u32 v5, v19  }
0x1c7: {  	[tilespmem:s20+$0xFFFFFF30] =	vst v14;
	v14 =	vor.u32 v5, v13;
	v16 =	vld.idx.msk [tilespmem:v16+s2+$0x0], $0xffff  }
0x1c8: {  	v23 =	vor.u32 v5, v20;
	[tilespmem:s18+$0xFFFFFF50] =	vst v24;
	v21 =	vld.idx.msk [tilespmem:v21+s2+$0x0], $0xffff  }
0x1c9: {  	v24 =	vld.idx.msk [tilespmem:v25+s2+$0x0], $0xffff;
	[tilespmem:s18+$0xF0] =	vst v11;
	v11 =	vor.u32 v5, v15  }
0x1ca: {  	v25 =	vor.u32 v6, v10;
	v18 =	vld.idx.msk [tilespmem:v18+s2+$0x0], $0xffff;
	[tilespmem:s20+$0xC0] =	vst v12  }
0x1cb: {  	v8 =	vor.u32 v7, v8;
	[tilespmem:s20+$0xFFFFFFC0] =	vst v17;
	v12 =	vld.idx.msk [tilespmem:v22+s2+$0x0], $0xffff  }
0x1cc: {  	[tilespmem:s20+$0x40] =	vst v16;
	v16 =	vor.u32 v6, v19;
	v14 =	vld.idx.msk [tilespmem:v14+s2+$0x0], $0xffff  }
0x1cd: {  	v17 =	vld.idx.msk [tilespmem:v23+s2+$0x0], $0xffff;
	v22 =	vor.u32 v6, v13;
	[tilespmem:s20+$0xFFFFFF40] =	vst v21  }
0x1ce: {  	[tilespmem:s18+$0xFFFFFFE0] =	vst v24;
	v21 =	vor.u32 v6, v20;
	v11 =	vld.idx.msk [tilespmem:v11+s2+$0x0], $0xffff  }
0x1cf: {  	v23 =	vld.idx.msk [tilespmem:v25+s2+$0x0], $0xffff;
	[tilespmem:s18+$0x60] =	vst v18;
	v18 =	vor.u32 v6, v15  }
0x1d0: {  	v9 =	vor.u32 v7, v9;
	v8 =	vld.idx.msk [tilespmem:v8+s2+$0x0], $0xffff;
	[tilespmem:s20+$0xD0] =	vst v12  }
0x1d1: {  	v10 =	vor.u32 v7, v10;
	[tilespmem:s20+$0xFFFFFFD0] =	vst v14;
	v12 =	vld.idx.msk [tilespmem:v16+s2+$0x0], $0xffff  }
0x1d2: {  	v14 =	vor.u32 v7, v19;
	[tilespmem:s20+$0x50] =	vst v17;
	v16 =	vld.idx.msk [tilespmem:v22+s2+$0x0], $0xffff  }
0x1d3: {  	v13 =	vor.u32 v7, v13;
	[tilespmem:s20+$0xFFFFFF50] =	vst v11;
	v11 =	vld.idx.msk [tilespmem:v21+s2+$0x0], $0xffff  }
0x1d4: {  	[tilespmem:s18+$0xFFFFFF60] =	vst v23;
	v17 =	vld.idx.msk [tilespmem:v18+s2+$0x0], $0xffff;
	v18 =	vor.u32 v7, v20  }
0x1d5: {  	v9 =	vld.idx.msk [tilespmem:v9+s2+$0x0], $0xffff;
	[tilespmem:s18+$0xFFFFFFF0] =	vst v8;
	v8 =	vor.u32 v7, v15  }
0x1d6: {  	v10 =	vld.idx.msk [tilespmem:v10+s2+$0x0], $0xffff;
	[tilespmem:s20+$0xE0] =	vst v12  }
0x1d7: {  	[tilespmem:s20+$0xFFFFFFE0] =	vst v16;
	v12 =	vld.idx.msk [tilespmem:v14+s2+$0x0], $0xffff  }
0x1d8: {  	v13 =	vld.idx.msk [tilespmem:v13+s2+$0x0], $0xffff;
	[tilespmem:s20+$0x60] =	vst v11  }
0x1d9: {  	v11 =	vld.idx.msk [tilespmem:v18+s2+$0x0], $0xffff;
	[tilespmem:s20+$0xFFFFFF60] =	vst v17  }
0x1da: {  	[tilespmem:s18+$0x70] =	vst v9;
	v8 =	vld.idx.msk [tilespmem:v8+s2+$0x0], $0xffff  }
0x1db: {  	s31 =	simm.s32 $0x0;
	s21 =	simm.s32 $0x1;
	[tilespmem:s18+$0xFFFFFF70] =	vst v10  }
0x1dc: {  	v9 =	vmov s31;
	v10 =	vmov s21;
	[tilespmem:s20+$0xF0] =	vst v12  }
0x1dd: {  	s22 =	simm.s32 $0x3;
	v14 =	vshll.u32 v9, $0x8;
	[tilespmem:s20+$0xFFFFFFF0] =	vst v13;
	v12 =	vshll.u32 v10, $0x8;
	v10 =	vshll.u32 v10, $0x7  }
0x1de: {  	[tilespmem:s20+$0x70] =	vst v11;
	v11 =	vand.u32 $0x7800, v12;
	v10 =	vand.u32 $0x280, v10;
	v12 =	vmov s22  }
0x1df: {  	s23 =	simm.s32 $0x2;
	[tilespmem:s20+$0xFFFFFF70] =	vst v8;
	v19 =	vor.u32 v10, v11;
	v8 =	vshll.u32 v12, $0x8;
	v10 =	vshll.u32 v12, $0x7  }
0x1e0: {  	v11 =	vmov s23;
	[hbm4b:s9+s31] =	stream.linear.scatter [tilespmem:s14], [sflag:$0x2], $0x4000, $0x38;
	v8 =	vand.u32 $0x7800, v8;
	v10 =	vand.u32 $0x380, v10;
	[tilespmem:$0x18000] =	vst v63  }
0x1e1: {  	v12 =	vshll.u32 v11, $0x8;
	v11 =	vshll.u32 v11, $0x7;
	_ =	swait.ge [sflag:s13], $0x8000;
	v13 =	vor.u32 v10, v8  }
0x1e2: {  	v8 =	vand.u32 $0x7800, v12;
	v10 =	vand.u32 $0x300, v11;
	[sflag:s13] =	ssyncset.done $0x0;
	v11 =	vor.u32 v0, v13  }
0x1e3: {  	v9 =	vshll.u32 v9, $0x7;
	v12 =	vor.u32 v0, v19;
	v20 =	vor.u32 v10, v8;
	[sflag:s13] =	ssyncadd.s32 $0xFFFF8000  }
0x1e4: {  	v9 =	vand.u32 $0x200, v9;
	v8 =	vand.u32 $0x7800, v14;
	v10 =	vor.u32 v0, v20;
	_ =	swait.ge [sflag:s16], $0x4000  }
0x1e5: {  	v15 =	vor.u32 v9, v8;
	[sflag:s16] =	ssyncset.done $0x0  }
0x1e6: {  	v8 =	vor.u32 v0, v15;
	[sflag:s16] =	ssyncadd.s32 $0xFFFFC000  }
0x1e7: {  	v11 =	vld.idx.msk [tilespmem:v11+s12+$0x0], $0xffff  }
0x1e8: {  	v16 =	vor.u32 v1, v13;
	v12 =	vld.idx.msk [tilespmem:v12+s12+$0x0], $0xffff  }
0x1e9: {  	v17 =	vor.u32 v1, v19;
	v10 =	vld.idx.msk [tilespmem:v10+s12+$0x0], $0xffff  }
0x1ea: {  	v18 =	vor.u32 v1, v20  }
0x1eb: {  	s19 =	simm.s32 $0x14100;
	v8 =	vld.idx.msk [tilespmem:v8+s12+$0x0], $0xffff  }
0x1ec: {  	v21 =	vor.u32 v1, v15;
	[tilespmem:s19+$0x80] =	vst v11  }
0x1ed: {  	[tilespmem:s19+$0xFFFFFF80] =	vst v12;
	v11 =	vld.idx.msk [tilespmem:v16+s12+$0x0], $0xffff  }
0x1ee: {  	v16 =	vld.idx.msk [tilespmem:v17+s12+$0x0], $0xffff;
	[tilespmem:s19+$0x0] =	vst v10;
	v17 =	vor.u32 v2, v13  }
0x1ef: {  	v22 =	vor.u32 v2, v19;
	v18 =	vld.idx.msk [tilespmem:v18+s12+$0x0], $0xffff  }
0x1f0: {  	s24 =	simm.s32 $0x4;
	[tilespmem:s19+$0xFFFFFF00] =	vst v8;
	v8 =	vor.u32 v2, v20  }
0x1f1: {  	v12 =	vmov s24;
	v23 =	vld.idx.msk [tilespmem:v21+s12+$0x0], $0xffff  }
0x1f2: {  	v24 =	vor.u32 v2, v15;
	v10 =	vshll.u32 v12, $0x8;
	v12 =	vshll.u32 v12, $0x7;
	[tilespmem:s19+$0x90] =	vst v11  }
0x1f3: {  	s25 =	simm.s32 $0x5;
	v12 =	vand.u32 $0x200, v12;
	v11 =	vand.u32 $0x7800, v10;
	[tilespmem:s19+$0xFFFFFF90] =	vst v16;
	v16 =	vld.idx.msk [tilespmem:v17+s12+$0x0], $0xffff  }
0x1f4: {  	v21 =	vor.u32 v12, v11;
	v11 =	vmov s25;
	v17 =	vld.idx.msk [tilespmem:v22+s12+$0x0], $0xffff;
	[tilespmem:s19+$0x10] =	vst v18;
	v18 =	vor.u32 v3, v13  }
0x1f5: {  	v26 =	vor.u32 v3, v19;
	v22 =	vshll.u32 v11, $0x8;
	v11 =	vshll.u32 v11, $0x7;
	v25 =	vld.idx.msk [tilespmem:v8+s12+$0x0], $0xffff  }
0x1f6: {  	[tilespmem:s19+$0xFFFFFF10] =	vst v23;
	v8 =	vand.u32 $0x7800, v22;
	v11 =	vand.u32 $0x280, v11;
	v22 =	vor.u32 v3, v20  }
0x1f7: {  	s28 =	simm.s32 $0x7;
	v23 =	vor.u32 v0, v21;
	v8 =	vor.u32 v11, v8;
	v11 =	vld.idx.msk [tilespmem:v24+s12+$0x0], $0xffff  }
0x1f8: {  	s26 =	simm.s32 $0x6;
	v28 =	vmov s28;
	v29 =	vor.u32 v4, v20;
	v15 =	vor.u32 v3, v15;
	[tilespmem:s19+$0xA0] =	vst v16  }
0x1f9: {  	v24 =	vor.u32 v0, v8;
	v16 =	vmov s26;
	[tilespmem:s19+$0xFFFFFFA0] =	vst v17;
	v17 =	vor.u32 v9, v14;
	v18 =	vld.idx.msk [tilespmem:v18+s12+$0x0], $0xffff  }
0x1fa: {  	v9 =	vshll.u32 v28, $0x8;
	v14 =	vld.idx.msk [tilespmem:v26+s12+$0x0], $0xffff;
	[tilespmem:s19+$0x20] =	vst v25;
	v25 =	vor.u32 v4, v13;
	v26 =	vshll.u32 v28, $0x7  }
0x1fb: {  	v28 =	vor.u32 v4, v19;
	v9 =	vand.u32 $0x7800, v9;
	v22 =	vld.idx.msk [tilespmem:v22+s12+$0x0], $0xffff;
	v26 =	vand.u32 $0x380, v26  }
0x1fc: {  	v27 =	vshll.u32 v16, $0x8;
	v23 =	vld.idx.msk [tilespmem:v23+s12+$0x0], $0xffff;
	v16 =	vshll.u32 v16, $0x7;
	[tilespmem:s19+$0xFFFFFF20] =	vst v11;
	v11 =	vor.u32 v26, v9  }
0x1fd: {  	v9 =	vand.u32 $0x7800, v27;
	v26 =	vld.idx.msk [tilespmem:v15+s12+$0x0], $0xffff;
	v15 =	vand.u32 $0x300, v16;
	v27 =	vor.u32 v0, v11  }
0x1fe: {  	s29 =	simm.s32 $0x8;
	v24 =	vld.idx.msk [tilespmem:v24+s12+$0x0], $0xffff;
	v9 =	vor.u32 v15, v9;
	[tilespmem:s19+$0xB0] =	vst v18;
	v18 =	vor.u32 v4, v17  }
0x1ff: {  	[tilespmem:s19+$0xFFFFFFB0] =	vst v14;
	v14 =	vmov s29;
	v30 =	vor.u32 v0, v9;
	v25 =	vld.idx.msk [tilespmem:v25+s12+$0x0], $0xffff  }
0x200: {  	v28 =	vld.idx.msk [tilespmem:v28+s12+$0x0], $0xffff;
	[tilespmem:s19+$0x30] =	vst v22;
	v15 =	vshll.u32 v14, $0x8;
	v14 =	vshll.u32 v14, $0x7;
	v22 =	vor.u32 v5, v13  }
0x201: {  	v57 =	vor.u32 v5, v19;
	v29 =	vld.idx.msk [tilespmem:v29+s12+$0x0], $0xffff;
	v31 =	vand.u32 $0x7800, v15;
	v16 =	vand.u32 $0x200, v14  }
0x202: {  	[tilespmem:s19+$0xFFFFFF30] =	vst v26;
	v14 =	vor.u32 v16, v31;
	v26 =	vld.idx.msk [tilespmem:v27+s12+$0x0], $0xffff;
	v27 =	vor.u32 v5, v20  }
0x203: {  	v31 =	vor.u32 v0, v14;
	v58 =	vld.idx.msk [tilespmem:v18+s12+$0x0], $0xffff  }
0x204: {  	v59 =	vor.u32 v1, v11;
	v30 =	vld.idx.msk [tilespmem:v30+s12+$0x0], $0xffff;
	[tilespmem:s19+$0xC0] =	vst v25  }
0x205: {  	v25 =	vor.u32 v1, v8;
	[tilespmem:s19+$0xFFFFFFC0] =	vst v28;
	v22 =	vld.idx.msk [tilespmem:v22+s12+$0x0], $0xffff  }
0x206: {  	s18 =	simm.s32 $0x14300;
	v28 =	vor.u32 v1, v9;
	v32 =	vld.idx.msk [tilespmem:v57+s12+$0x0], $0xffff;
	[tilespmem:s19+$0x40] =	vst v29  }
0x207: {  	[tilespmem:s18+$0xFFFFFF00] =	vst v23;
	v29 =	vor.u32 v6, v13;
	v27 =	vld.idx.msk [tilespmem:v27+s12+$0x0], $0xffff  }
0x208: {  	[tilespmem:s18+$0x80] =	vst v26;
	v26 =	vor.u32 v5, v17;
	v18 =	vld.idx.msk [tilespmem:v31+s12+$0x0], $0xffff  }
0x209: {  	[tilespmem:s18+$0xFFFFFF80] =	vst v24;
	v31 =	vor.u32 v1, v21;
	v24 =	vld.idx.msk [tilespmem:v59+s12+$0x0], $0xffff  }
0x20a: {  	[tilespmem:s18+$0x0] =	vst v30;
	v30 =	vor.u32 v6, v19;
	v25 =	vld.idx.msk [tilespmem:v25+s12+$0x0], $0xffff  }
0x20b: {  	v60 =	vor.u32 v2, v11;
	v28 =	vld.idx.msk [tilespmem:v28+s12+$0x0], $0xffff;
	[tilespmem:s19+$0xD0] =	vst v22  }
0x20c: {  	v23 =	vor.u32 v2, v8;
	[tilespmem:s19+$0xFFFFFF40] =	vst v58;
	v29 =	vld.idx.msk [tilespmem:v29+s12+$0x0], $0xffff  }
0x20d: {  	v13 =	vor.u32 v7, v13;
	[tilespmem:s19+$0xFFFFFFD0] =	vst v32;
	v33 =	vld.idx.msk [tilespmem:v26+s12+$0x0], $0xffff  }
0x20e: {  	v35 =	vor.u32 v2, v9;
	[tilespmem:s19+$0x50] =	vst v27;
	v31 =	vld.idx.msk [tilespmem:v31+s12+$0x0], $0xffff  }
0x20f: {  	[tilespmem:s18+$0x90] =	vst v24;
	v24 =	vor.u32 v6, v20;
	v22 =	vld.idx.msk [tilespmem:v30+s12+$0x0], $0xffff  }
0x210: {  	s30 =	simm.s32 $0x9;
	v26 =	vor.u32 v2, v21;
	[tilespmem:s18+$0xFFFFFF90] =	vst v25;
	v25 =	vld.idx.msk [tilespmem:v60+s12+$0x0], $0xffff  }
0x211: {  	v61 =	vld.idx.msk [tilespmem:v23+s12+$0x0], $0xffff;
	v23 =	vor.u32 v6, v17;
	[tilespmem:s19+$0xE0] =	vst v29;
	v29 =	vmov s30  }
0x212: {  	v63 =	vor.u32 v3, v11;
	[tilespmem:s18+$0x10] =	vst v28;
	v28 =	vld.idx.msk [tilespmem:v13+s12+$0x0], $0xffff;
	v13 =	vshll.u32 v29, $0x8;
	v29 =	vshll.u32 v29, $0x7  }
0x213: {  	v36 =	vor.u32 v3, v8;
	v62 =	vld.idx.msk [tilespmem:v35+s12+$0x0], $0xffff;
	[tilespmem:s19+$0xFFFFFF50] =	vst v33;
	v13 =	vand.u32 $0x7800, v13;
	v27 =	vand.u32 $0x280, v29  }
0x214: {  	v33 =	vor.u32 v3, v9;
	[tilespmem:s18+$0xFFFFFF10] =	vst v31;
	v24 =	vld.idx.msk [tilespmem:v24+s12+$0x0], $0xffff;
	v13 =	vor.u32 v27, v13  }
0x215: {  	v26 =	vld.idx.msk [tilespmem:v26+s12+$0x0], $0xffff;
	[tilespmem:s18+$0xA0] =	vst v25;
	v25 =	vor.u32 v0, v13  }
0x216: {  	s31 =	simm.s32 $0xA;
	v29 =	vor.u32 v3, v21;
	v23 =	vld.idx.msk [tilespmem:v23+s12+$0x0], $0xffff  }
0x217: {  	v30 =	vmov s31;
	v31 =	vor.u32 v7, v19;
	[tilespmem:s18+$0xFFFFFFA0] =	vst v61;
	v21 =	vld.idx.msk [tilespmem:v63+s12+$0x0], $0xffff  }
0x218: {  	s21 =	simm.s32 $0xB;
	s20 =	simm.s32 $0xC;
	v20 =	vor.u32 v7, v20;
	v32 =	vshll.u32 v30, $0x8;
	[tilespmem:s18+$0x20] =	vst v62;
	v27 =	vld.idx.msk [tilespmem:v36+s12+$0x0], $0xffff  }
.LBB2_8:
0x219: {  	p0 =	slt.u32 s20, $0x7C;
	v19 =	vmov s21;
	v34 =	vor.u32 v12, v10;
	v33 =	vld.idx.msk [tilespmem:v33+s12+$0x0], $0xffff;
	v35 =	vor.u32 v4, v11;
	[tilespmem:s19+$0xF0] =	vst v28;
	v10 =	vmovc v15  }
0x21a: {  	v12 =	vmovc v16;
	v25 =	vld.idx.msk [tilespmem:v25+s12+$0x0], $0xffff;
	v15 =	vshll.u32 v19, $0x8;
	v19 =	vshll.u32 v19, $0x7;
	[tilespmem:s18+$0xFFFFFF20] =	vst v26;
	v26 =	vor.u32 v4, v8  }
0x21b: {  	v15 =	vand.u32 $0x7800, v15;
	v16 =	vand.u32 $0x380, v19;
	v28 =	vld.idx.msk [tilespmem:v29+s12+$0x0], $0xffff;
	v29 =	vor.u32 v4, v9;
	[tilespmem:s19+$0xFFFFFFE0] =	vst v22  }
0x21c: {  	v19 =	vshll.u32 v30, $0x7;
	v30 =	vor.u32 v7, v17;
	v22 =	vor.u32 v16, v15;
	v31 =	vld.idx.msk [tilespmem:v31+s12+$0x0], $0xffff;
	[tilespmem:s19+$0x60] =	vst v24  }
0x21d: {  	v17 =	vmovc v34;
	v15 =	vand.u32 $0x7800, v32;
	v16 =	vand.u32 $0x300, v19;
	v24 =	vor.u32 v0, v22;
	[tilespmem:s18+$0xB0] =	vst v21;
	v20 =	vld.idx.msk [tilespmem:v20+s12+$0x0], $0xffff  }
0x21e: {  	v19 =	vor.u32 v16, v15;
	v21 =	vor.u32 v4, v17;
	[tilespmem:s18+$0xFFFFFFB0] =	vst v27;
	v27 =	vld.idx.msk [tilespmem:v35+s12+$0x0], $0xffff  }
0x21f: {  	v16 =	vmov s20;
	v32 =	vor.u32 v0, v19;
	v26 =	vld.idx.msk [tilespmem:v26+s12+$0x0], $0xffff;
	[tilespmem:s18+$0x30] =	vst v33  }
0x220: {  	v15 =	vshll.u32 v16, $0x8;
	v16 =	vshll.u32 v16, $0x7;
	v33 =	vor.u32 v5, v11;
	v29 =	vld.idx.msk [tilespmem:v29+s12+$0x0], $0xffff;
	[tilespmem:s19+$0xFFFFFF60] =	vst v23  }
0x221: {  	v16 =	vand.u32 $0x200, v16;
	v23 =	vand.u32 $0x7800, v15;
	[tilespmem:s18+$0xFFFFFF30] =	vst v28;
	v28 =	vor.u32 v5, v8;
	v30 =	vld.idx.msk [tilespmem:v30+s12+$0x0], $0xffff  }
0x222: {  	v34 =	vor.u32 v16, v23;
	v23 =	vld.idx.msk [tilespmem:v24+s12+$0x0], $0xffff;
	v24 =	vor.u32 v5, v9;
	[tilespmem:s19+$0xFFFFFFF0] =	vst v31  }
0x223: {  	v31 =	vor.u32 v0, v34;
	v21 =	vld.idx.msk [tilespmem:v21+s12+$0x0], $0xffff;
	[tilespmem:s19+$0x70] =	vst v20  }
0x224: {  	v20 =	vld.idx.msk [tilespmem:v32+s12+$0x0], $0xffff;
	v32 =	vor.u32 v1, v22;
	[tilespmem:s18+$0xC0] =	vst v27  }
0x225: {  	v27 =	vor.u32 v1, v13;
	[tilespmem:s18+$0xFFFFFFC0] =	vst v26;
	v26 =	vld.idx.msk [tilespmem:v33+s12+$0x0], $0xffff  }
0x226: {  	v33 =	vor.u32 v1, v19;
	v28 =	vld.idx.msk [tilespmem:v28+s12+$0x0], $0xffff;
	[tilespmem:s18+$0x40] =	vst v29  }
0x227: {  	v29 =	vor.u32 v6, v11;
	v24 =	vld.idx.msk [tilespmem:v24+s12+$0x0], $0xffff;
	[tilespmem:s19+$0xFFFFFF70] =	vst v30;
	s19 =	smov.u32 s18;
	s18 =	sadd.s32 $0x200, s18  }
0x228: {  	v30 =	vld.idx.msk [tilespmem:v31+s12+$0x0], $0xffff;
	v31 =	vor.u32 v1, v14;
	[tilespmem:s18+$0x80] =	vst v23  }
0x229: {  	[tilespmem:s18+$0xFFFFFF80] =	vst v25;
	v23 =	vld.idx.msk [tilespmem:v32+s12+$0x0], $0xffff;
	v25 =	vor.u32 v5, v17  }
0x22a: {  	v27 =	vld.idx.msk [tilespmem:v27+s12+$0x0], $0xffff;
	[tilespmem:s18+$0x0] =	vst v20;
	v20 =	vor.u32 v6, v8  }
0x22b: {  	v32 =	vld.idx.msk [tilespmem:v33+s12+$0x0], $0xffff;
	v33 =	vor.u32 v2, v22;
	[tilespmem:s19+$0xD0] =	vst v26  }
0x22c: {  	v26 =	vor.u32 v2, v13;
	[tilespmem:s18+$0xFFFFFF00] =	vst v18;
	v29 =	vld.idx.msk [tilespmem:v29+s12+$0x0], $0xffff  }
0x22d: {  	v35 =	vor.u32 v2, v19;
	v31 =	vld.idx.msk [tilespmem:v31+s12+$0x0], $0xffff;
	[tilespmem:s19+$0xFFFFFF40] =	vst v21  }
0x22e: {  	v18 =	vmov v30;
	v21 =	vld.idx.msk [tilespmem:v25+s12+$0x0], $0xffff;
	[tilespmem:s19+$0xFFFFFFD0] =	vst v28;
	v25 =	vor.u32 v7, v11;
	v11 =	vmov v22  }
0x22f: {  	v30 =	vor.u32 v2, v14;
	[tilespmem:s18+$0x90] =	vst v23;
	v22 =	vld.idx.msk [tilespmem:v20+s12+$0x0], $0xffff  }
0x230: {  	s21 =	sadd.s32 $0x1, s20;
	v23 =	vor.u32 v6, v9;
	[tilespmem:s18+$0xFFFFFF90] =	vst v27;
	v20 =	vld.idx.msk [tilespmem:v33+s12+$0x0], $0xffff  }
0x231: {  	v27 =	vmov s21;
	v36 =	vld.idx.msk [tilespmem:v26+s12+$0x0], $0xffff;
	[tilespmem:s18+$0x10] =	vst v32;
	v32 =	vor.u32 v6, v17  }
0x232: {  	v37 =	vor.u32 v3, v11;
	v26 =	vshll.u32 v27, $0x8;
	v27 =	vshll.u32 v27, $0x7;
	v35 =	vld.idx.msk [tilespmem:v35+s12+$0x0], $0xffff;
	[tilespmem:s19+$0xE0] =	vst v29  }
0x233: {  	v38 =	vor.u32 v3, v13;
	v26 =	vand.u32 $0x7800, v26;
	v27 =	vand.u32 $0x280, v27;
	[tilespmem:s18+$0xFFFFFF10] =	vst v31;
	v28 =	vld.idx.msk [tilespmem:v25+s12+$0x0], $0xffff  }
.Ltmp3:
0x234: {  	v33 =	vor.u32 v3, v19;
	v27 =	vor.u32 v27, v26;
	v26 =	vld.idx.msk [tilespmem:v30+s12+$0x0], $0xffff;
	[tilespmem:s19+$0x50] =	vst v24;
	(pc) =	sbr.rel @p0 .LBB2_8-.Ltmp3, $4  }
0x235: {  	v25 =	vor.u32 v0, v27;
	[tilespmem:s19+$0xFFFFFF50] =	vst v21;
	v24 =	vld.idx.msk [tilespmem:v23+s12+$0x0], $0xffff  }
0x236: {  	s21 =	sadd.s32 $0x2, s20;
	v29 =	vor.u32 v3, v14;
	v14 =	vmov v34;
	[tilespmem:s18+$0xA0] =	vst v20;
	v23 =	vld.idx.msk [tilespmem:v32+s12+$0x0], $0xffff  }
0x237: {  	v31 =	vor.u32 v7, v8;
	v8 =	vmovc v13;
	v30 =	vmov s21;
	v13 =	vmov v27;
	[tilespmem:s18+$0xFFFFFFA0] =	vst v36;
	v21 =	vld.idx.msk [tilespmem:v37+s12+$0x0], $0xffff  }
0x238: {  	s21 =	sadd.s32 $0x3, s20;
	s20 =	sadd.s32 $0x4, s20;
	v32 =	vshll.u32 v30, $0x8;
	v20 =	vor.u32 v7, v9;
	v9 =	vmov v19;
	v27 =	vld.idx.msk [tilespmem:v38+s12+$0x0], $0xffff;
	[tilespmem:s18+$0x20] =	vst v35  }
0x239: {  	_ =	sdelay $0x1  }
0x23a: {  	[tilespmem:s19+$0xF0] =	vst v28  }
0x23b: {  	[tilespmem:s18+$0xFFFFFF20] =	vst v26  }
0x23c: {  	v19 =	vmov s21;
	v59 =	vld.idx.msk [tilespmem:v33+s12+$0x0], $0xffff;
	v60 =	vor.u32 v4, v11;
	v61 =	vor.u32 v4, v8;
	[tilespmem:s19+$0xFFFFFFE0] =	vst v22  }
0x23d: {  	v30 =	vshll.u32 v30, $0x7;
	v37 =	vand.u32 $0x7800, v32;
	v17 =	vor.u32 v7, v17;
	v44 =	vld.idx.msk [tilespmem:v25+s12+$0x0], $0xffff;
	s20 =	sadd.s32 $0x200, s18;
	[tilespmem:s19+$0x60] =	vst v24  }
0x23e: {  	v34 =	vshll.u32 v19, $0x8;
	v19 =	vshll.u32 v19, $0x7;
	v62 =	vld.idx.msk [tilespmem:v29+s12+$0x0], $0xffff;
	v30 =	vand.u32 $0x300, v30;
	[tilespmem:s20+$0xFFFFFF00] =	vst v18  }
0x23f: {  	v34 =	vand.u32 $0x7800, v34;
	v19 =	vand.u32 $0x380, v19;
	v39 =	vld.idx.msk [tilespmem:v20+s12+$0x0], $0xffff;
	v20 =	vor.u32 v30, v37;
	[tilespmem:s19+$0xFFFFFF60] =	vst v23  }
0x240: {  	v36 =	vld.idx.msk [tilespmem:v31+s12+$0x0], $0xffff;
	v19 =	vor.u32 v19, v34;
	[tilespmem:s18+$0xB0] =	vst v21;
	v30 =	vor.u32 v0, v20  }
0x241: {  	v38 =	vor.u32 v0, v19;
	[tilespmem:s18+$0xFFFFFFB0] =	vst v27  }
0x242: {  	v50 =	vor.u32 v1, v14;
	v40 =	vld.idx.msk [tilespmem:v60+s12+$0x0], $0xffff;
	[tilespmem:s18+$0x30] =	vst v59  }
0x243: {  	v47 =	vor.u32 v1, v13;
	v26 =	vld.idx.msk [tilespmem:v61+s12+$0x0], $0xffff;
	[tilespmem:s20+$0xFFFFFF80] =	vst v44  }
0x244: {  	v63 =	vor.u32 v4, v9;
	v49 =	vld.idx.msk [tilespmem:v17+s12+$0x0], $0xffff;
	[tilespmem:s18+$0xFFFFFF30] =	vst v62  }
0x245: {  	v42 =	vor.u32 v5, v11;
	[tilespmem:s19+$0xFFFFFFF0] =	vst v36;
	v46 =	vld.idx.msk [tilespmem:v30+s12+$0x0], $0xffff  }
0x246: {  	v48 =	vor.u32 v1, v20;
	[tilespmem:s19+$0x70] =	vst v39;
	v43 =	vld.idx.msk [tilespmem:v38+s12+$0x0], $0xffff  }
0x247: {  	v10 =	vor.u32 v12, v10;
	v45 =	vor.u32 v1, v19;
	v55 =	vld.idx.msk [tilespmem:v50+s12+$0x0], $0xffff;
	[tilespmem:s18+$0xC0] =	vst v40  }
0x248: {  	v51 =	vor.u32 v4, v10;
	v24 =	vld.idx.msk [tilespmem:v47+s12+$0x0], $0xffff;
	[tilespmem:s18+$0xFFFFFFC0] =	vst v26  }
0x249: {  	v54 =	vor.u32 v2, v13;
	v41 =	vld.idx.msk [tilespmem:v63+s12+$0x0], $0xffff;
	[tilespmem:s19+$0xFFFFFF70] =	vst v49  }
0x24a: {  	v52 =	vor.u32 v5, v8;
	v22 =	vld.idx.msk [tilespmem:v42+s12+$0x0], $0xffff;
	[tilespmem:s20+$0x0] =	vst v46  }
0x24b: {  	v57 =	vor.u32 v2, v14;
	[tilespmem:s20+$0x80] =	vst v43;
	v26 =	vld.idx.msk [tilespmem:v48+s12+$0x0], $0xffff  }
0x24c: {  	v56 =	vor.u32 v2, v20;
	[tilespmem:s20+$0xFFFFFF10] =	vst v55;
	v21 =	vld.idx.msk [tilespmem:v45+s12+$0x0], $0xffff  }
0x24d: {  	v53 =	vor.u32 v2, v19;
	v23 =	vld.idx.msk [tilespmem:v51+s12+$0x0], $0xffff;
	[tilespmem:s20+$0xFFFFFF90] =	vst v24  }
0x24e: {  	v59 =	vor.u32 v6, v11;
	[tilespmem:s18+$0x40] =	vst v41;
	v18 =	vld.idx.msk [tilespmem:v54+s12+$0x0], $0xffff  }
0x24f: {  	v63 =	vor.u32 v3, v13;
	v58 =	vld.idx.msk [tilespmem:v52+s12+$0x0], $0xffff;
	[tilespmem:s18+$0xD0] =	vst v22  }
0x250: {  	v60 =	vor.u32 v5, v9;
	v22 =	vld.idx.msk [tilespmem:v57+s12+$0x0], $0xffff;
	[tilespmem:s20+$0x10] =	vst v26  }
0x251: {  	v32 =	vor.u32 v3, v14;
	[tilespmem:s20+$0x90] =	vst v21;
	v17 =	vld.idx.msk [tilespmem:v56+s12+$0x0], $0xffff  }
0x252: {  	v30 =	vor.u32 v3, v20;
	[tilespmem:s18+$0xFFFFFF40] =	vst v23;
	v61 =	vld.idx.msk [tilespmem:v53+s12+$0x0], $0xffff  }
0x253: {  	v62 =	vor.u32 v3, v19;
	v31 =	vld.idx.msk [tilespmem:v59+s12+$0x0], $0xffff;
	[tilespmem:s20+$0xFFFFFFA0] =	vst v18  }
0x254: {  	v41 =	vor.u32 v6, v8;
	[tilespmem:s18+$0xFFFFFFD0] =	vst v58;
	v12 =	vld.idx.msk [tilespmem:v63+s12+$0x0], $0xffff  }
0x255: {  	v34 =	vor.u32 v7, v11;
	v21 =	vld.idx.msk [tilespmem:v60+s12+$0x0], $0xffff;
	[tilespmem:s20+$0xFFFFFF20] =	vst v22  }
0x256: {  	v15 =	vor.u32 v16, v15;
	v37 =	vor.u32 v4, v13;
	v14 =	vld.idx.msk [tilespmem:v32+s12+$0x0], $0xffff;
	[tilespmem:s20+$0x20] =	vst v17  }
0x257: {  	v40 =	vor.u32 v4, v15;
	[tilespmem:s20+$0xA0] =	vst v61;
	v23 =	vld.idx.msk [tilespmem:v30+s12+$0x0], $0xffff  }
0x258: {  	v38 =	vor.u32 v4, v20;
	[tilespmem:s18+$0xE0] =	vst v31;
	v35 =	vld.idx.msk [tilespmem:v62+s12+$0x0], $0xffff  }
0x259: {  	v36 =	vor.u32 v4, v19;
	v48 =	vld.idx.msk [tilespmem:v41+s12+$0x0], $0xffff;
	[tilespmem:s20+$0xFFFFFFB0] =	vst v12  }
0x25a: {  	v33 =	vor.u32 v5, v10;
	v11 =	vld.idx.msk [tilespmem:v34+s12+$0x0], $0xffff;
	[tilespmem:s18+$0x50] =	vst v21  }
0x25b: {  	v8 =	vor.u32 v7, v8;
	v44 =	vld.idx.msk [tilespmem:v37+s12+$0x0], $0xffff;
	[tilespmem:s20+$0xFFFFFF30] =	vst v14  }
0x25c: {  	v46 =	vor.u32 v5, v13;
	v21 =	vld.idx.msk [tilespmem:v40+s12+$0x0], $0xffff;
	[tilespmem:s20+$0x30] =	vst v23  }
0x25d: {  	v49 =	vor.u32 v5, v15;
	[tilespmem:s20+$0xB0] =	vst v35;
	v16 =	vld.idx.msk [tilespmem:v38+s12+$0x0], $0xffff  }
0x25e: {  	v47 =	vor.u32 v5, v20;
	[tilespmem:s18+$0xFFFFFFE0] =	vst v48;
	v43 =	vld.idx.msk [tilespmem:v36+s12+$0x0], $0xffff  }
0x25f: {  	v39 =	vld.idx.msk [tilespmem:v33+s12+$0x0], $0xffff;
	v45 =	vor.u32 v5, v19;
	[tilespmem:s18+$0xF0] =	vst v11  }
0x260: {  	v50 =	vor.u32 v6, v10;
	v8 =	vld.idx.msk [tilespmem:v8+s12+$0x0], $0xffff;
	[tilespmem:s20+$0xFFFFFFC0] =	vst v44  }
0x261: {  	v42 =	vor.u32 v6, v9;
	v14 =	vld.idx.msk [tilespmem:v46+s12+$0x0], $0xffff;
	[tilespmem:s20+$0xFFFFFF40] =	vst v21  }
0x262: {  	v53 =	vor.u32 v6, v13;
	v11 =	vld.idx.msk [tilespmem:v49+s12+$0x0], $0xffff;
	[tilespmem:s20+$0x40] =	vst v16  }
0x263: {  	v56 =	vor.u32 v6, v15;
	[tilespmem:s20+$0xC0] =	vst v43;
	v52 =	vld.idx.msk [tilespmem:v47+s12+$0x0], $0xffff  }
0x264: {  	v54 =	vor.u32 v6, v20;
	[tilespmem:s18+$0xFFFFFF50] =	vst v39;
	v12 =	vld.idx.msk [tilespmem:v45+s12+$0x0], $0xffff  }
0x265: {  	v51 =	vor.u32 v6, v19;
	v55 =	vld.idx.msk [tilespmem:v50+s12+$0x0], $0xffff;
	[tilespmem:s18+$0xFFFFFFF0] =	vst v8  }
0x266: {  	v10 =	vor.u32 v7, v10;
	v18 =	vld.idx.msk [tilespmem:v42+s12+$0x0], $0xffff;
	[tilespmem:s20+$0xFFFFFFD0] =	vst v14  }
0x267: {  	v57 =	vor.u32 v7, v9;
	v59 =	vld.idx.msk [tilespmem:v53+s12+$0x0], $0xffff;
	[tilespmem:s20+$0xFFFFFF50] =	vst v11  }
0x268: {  	v61 =	vor.u32 v7, v13;
	v62 =	vld.idx.msk [tilespmem:v56+s12+$0x0], $0xffff;
	[tilespmem:s20+$0x50] =	vst v52  }
0x269: {  	v8 =	vor.u32 v7, v15;
	[tilespmem:s20+$0xD0] =	vst v12;
	v60 =	vld.idx.msk [tilespmem:v54+s12+$0x0], $0xffff  }
0x26a: {  	v63 =	vor.u32 v7, v20;
	[tilespmem:s18+$0xFFFFFF60] =	vst v55;
	v12 =	vld.idx.msk [tilespmem:v51+s12+$0x0], $0xffff  }
0x26b: {  	v58 =	vor.u32 v7, v19;
	v10 =	vld.idx.msk [tilespmem:v10+s12+$0x0], $0xffff;
	[tilespmem:s18+$0x60] =	vst v18  }
0x26c: {  	v9 =	vld.idx.msk [tilespmem:v57+s12+$0x0], $0xffff;
	[tilespmem:s20+$0xFFFFFFE0] =	vst v59  }
0x26d: {  	v13 =	vld.idx.msk [tilespmem:v61+s12+$0x0], $0xffff;
	[tilespmem:s20+$0xFFFFFF60] =	vst v62  }
0x26e: {  	v8 =	vld.idx.msk [tilespmem:v8+s12+$0x0], $0xffff;
	[tilespmem:s20+$0x60] =	vst v60  }
0x26f: {  	[tilespmem:s20+$0xE0] =	vst v12;
	v11 =	vld.idx.msk [tilespmem:v63+s12+$0x0], $0xffff  }
0x270: {  	[tilespmem:s18+$0xFFFFFF70] =	vst v10;
	v12 =	vld.idx.msk [tilespmem:v58+s12+$0x0], $0xffff  }
0x271: {  	[tilespmem:s18+$0x70] =	vst v9  }
0x272: {  	[tilespmem:s20+$0xFFFFFFF0] =	vst v13  }
0x273: {  	[tilespmem:s20+$0xFFFFFF70] =	vst v8  }
0x274: {  	[tilespmem:s20+$0x70] =	vst v11  }
0x275: {  	s17 =	sadd.s32 $0x1, s17;
	[tilespmem:s20+$0xF0] =	vst v12  }
0x276: {  	[hbm4b:s10+s2] =	stream.linear.scatter [tilespmem:s15], [sflag:$0x2], $0x4000, $0x38;
	[tilespmem:$0x18000] =	vst v63  }
0x277: {  	p0 =	sne.s32 s17, s11;
	_ =	swait.ge [sflag:s16], $0x4000  }
.Ltmp4:
0x278: {  	[sflag:s16] =	ssyncset.done $0x0;
	(pc) =	sbr.rel @p0 .LBB2_1-.Ltmp4, $4  }
0x279: {  	[sflag:s16] =	ssyncadd.s32 $0xFFFFC000  }
0x27a: {  	_ =	swait.ge [sflag:s16], $0x4000  }
0x27b: {  	[sflag:s16] =	ssyncset.done $0x0  }
0x27c: {  	[sflag:s16] =	ssyncadd.s32 $0xFFFFC000  }
0x27d: {  	_ =	sfence.sel $0x180000  }
0x27e: {  	[bflag:$0x0] =	sbarrier.arrive $0xFFFF  }
0x27f: {  	p0 =	sne.s32 s1, $0x0;
	_ =	strace $0x90000047  }
0x280: {  	s0 =	sadd.s32 @!p0 $0x100000, s0;
	[bflag:$0x2] =	sbarrier.arrive $0xFFFF  }
0x281: {  	[sflag:s0] =	ssyncadd.tile.s32 @!p0 $0x1;
	_ =	shalt  }
.Lfunc_end2:
_tile_overlayer_lowered:
.L_overlay_start_2:
0x282: {  	(tag) =	ssettag $0x2  }
0x283: {  	s0 =	rddreg [dreg:$0x0];
	s2 =	stileid.u32  }
0x284: {  	s1 =	rddreg [dreg:$0x1];
	p0 =	sne.s32 s2, $0x0  }
0x285: {  	s3 =	rddreg [dreg:$0x2];
	[bflag:$0x3] =	sbarrier.arrive $0xFFFF;
	s2 =	simm.s32 @!p0 $0x1C03  }
0x286: {  	[timem:s3], [sflag:s2] =	dma.local @!p0 [hbm:s0], s1  }
0x287: {  	s0 =	simm.s32 @!p0 $0x3  }
0x288: {  	_ =	swait.ge @!p0 [sflag:s0], s1  }
0x289: {  	s1 =	ssub.s32 @!p0 $0x0, s1;
	[sflag:s0] =	ssyncset.done @!p0 $0x0  }
0x28a: {  	[sflag:s0] =	ssyncadd.s32 @!p0 s1  }
0x28b: {  	[bflag:$0x3] =	sbarrier.arrive $0xFFFF  }
0x28c: {  	_ =	shalt  }

</sc_bundles>
